<compile_context>
chip_gen: v7x
topology: tpu7x:2x2x1
jax: 0.10.2.dev20260603
libtpu: 0.0.44.dev20260713+nightly
codegen_flags: <defaults>
</compile_context>

<pallas_src>
import functools

import jax
import jax.numpy as jnp
from jax import lax
from jax.experimental import pallas as pl
from jax.experimental.pallas import tpu as pltpu
from jax.experimental.pallas import tpu_sc as plsc

N = 10000
NP = 10240
E = 320000
D = 128

NUM_SC = 2
NUM_TILES = 16
NUM_WORKERS = NUM_SC * NUM_TILES

HIST_CHUNK = NP // NUM_TILES
EPW = E // NUM_WORKERS
HWIN = 2000
EWIN = 80
NWIN = EPW // EWIN
ROWS_PER_TILE = NP // NUM_TILES
ZROWS = EWIN
assert NWIN % 2 == 1

_VEC = 16


def _fill1(ref, n, value):
    v = jnp.full((_VEC,), value, jnp.float32)

    @pl.loop(0, n, step=_VEC)
    def _(i):
        ref[pl.ds(i, _VEC)] = v


def _fill2(ref, rows, cols, value):
    v = jnp.full((_VEC,), value, jnp.float32)

    @pl.loop(0, rows)
    def _(r):
        @pl.loop(0, cols, step=_VEC)
        def _(c):
            ref[r, pl.ds(c, _VEC)] = v


_SC_MESH = plsc.VectorSubcoreMesh(core_axis_name="c", subcore_axis_name="s")


def _degree_partials(col):

    @functools.partial(
        pl.kernel,
        out_type=jax.ShapeDtypeStruct((NUM_SC, NP), jnp.float32),
        mesh=_SC_MESH,
        scratch_types=[
            pltpu.VMEM_SHARED((NP,), jnp.float32),
            pltpu.VMEM((HWIN,), jnp.int32),
            pltpu.VMEM((HWIN,), jnp.float32),
            pltpu.VMEM((HIST_CHUNK,), jnp.float32),
        ],
    )
    def k(col_hbm, out_hbm, hist_sp, idx_v, ones_v, z_v):
        cid = lax.axis_index("c")
        sid = lax.axis_index("s")
        _fill1(ones_v, HWIN, 1.0)
        _fill1(z_v, HIST_CHUNK, 0.0)
        pltpu.sync_copy(z_v, hist_sp.at[pl.ds(sid * HIST_CHUNK, HIST_CHUNK)])
        plsc.subcore_barrier()
        base = (cid * NUM_TILES + sid) * EPW

        @pl.loop(0, EPW, step=HWIN)
        def _(w):
            pltpu.sync_copy(col_hbm.at[pl.ds(base + w, HWIN)], idx_v)
            pltpu.sync_copy(ones_v, hist_sp.at[idx_v], add=True)

        plsc.subcore_barrier()
        sl = pl.ds(sid * HIST_CHUNK, HIST_CHUNK)
        pltpu.sync_copy(hist_sp.at[sl], out_hbm.at[cid].at[sl])

    return k(col)


def _propagate_partials(g, row3, col):

    @functools.partial(
        pl.kernel,
        out_type=jax.ShapeDtypeStruct((NUM_SC, NP, D), jnp.float32),
        mesh=_SC_MESH,
        scratch_types=[
            pltpu.VMEM_SHARED((NP, D), jnp.float32),
            pltpu.VMEM((EPW,), jnp.int32),
            pltpu.VMEM((NWIN, EWIN), jnp.int32),
            pltpu.VMEM((EWIN, D), jnp.float32),
            pltpu.VMEM((EWIN, D), jnp.float32),
            pltpu.SemaphoreType.DMA,
            pltpu.SemaphoreType.DMA,
            pltpu.SemaphoreType.DMA,
            pltpu.SemaphoreType.DMA,
        ],
    )
    def k(g_hbm, row_hbm, col_hbm, out_hbm, acc_sp,
          cidx, ridx, rows0, rows1, gsem0, gsem1, ssem0, ssem1):
        cid = lax.axis_index("c")
        sid = lax.axis_index("s")
        wid = cid * NUM_TILES + sid
        pltpu.sync_copy(col_hbm.at[pl.ds(wid * EPW, EPW)], cidx)
        pltpu.sync_copy(row_hbm.at[wid], ridx)
        _fill2(rows0, ZROWS, D, 0.0)

        @pl.loop(0, ROWS_PER_TILE, step=ZROWS)
        def _(r):
            start = sid * ROWS_PER_TILE + r
            seed_g = (cid == 0) & (start < N)

            @pl.when(seed_g)
            def _():
                pltpu.sync_copy(
                    g_hbm.at[pl.ds(start, ZROWS)], acc_sp.at[pl.ds(start, ZROWS)]
                )

            @pl.when(jnp.logical_not(seed_g))
            def _():
                pltpu.sync_copy(rows0, acc_sp.at[pl.ds(start, ZROWS)])

        plsc.subcore_barrier()

        def g_start(wn, rows, sem):
            pltpu.make_async_copy(
                g_hbm.at[cidx.at[pl.ds(wn * EWIN, EWIN)]], rows, sem
            ).start()

        def g_wait(rows, sem):
            pltpu.make_async_copy(
                g_hbm.at[cidx.at[pl.ds(0, EWIN)]], rows, sem
            ).wait()

        def s_start(wn, rows, sem):
            pltpu.make_async_copy(
                rows, acc_sp.at[ridx.at[wn]], sem
            ).start(add=True)

        def s_wait(rows, sem):
            pltpu.make_async_copy(rows, acc_sp.at[ridx.at[0]], sem).wait()

        g_start(0, rows0, gsem0)
        g_start(1, rows1, gsem1)
        g_wait(rows0, gsem0)
        s_start(0, rows0, ssem0)

        @pl.loop(1, NWIN, step=2)
        def _(w):
            s_wait(rows0, ssem0)
            g_start(jnp.minimum(w + 1, NWIN - 1), rows0, gsem0)
            g_wait(rows1, gsem1)
            s_start(w, rows1, ssem1)
            s_wait(rows1, ssem1)
            g_start(jnp.minimum(w + 2, NWIN - 1), rows1, gsem1)
            g_wait(rows0, gsem0)
            s_start(w + 1, rows0, ssem0)

        s_wait(rows0, ssem0)
        g_wait(rows1, gsem1)

        plsc.subcore_barrier()
        sl = pl.ds(sid * ROWS_PER_TILE, ROWS_PER_TILE)
        pltpu.sync_copy(acc_sp.at[sl], out_hbm.at[cid].at[sl])

    return k(g, row3, col)


_BLK = 5000


def _row_spec():
    return pl.BlockSpec((_BLK, D), lambda i: (i, 0))


def _col1_spec():
    return pl.BlockSpec((_BLK, 1), lambda i: (i, 0))


def _pair_spec():
    return pl.BlockSpec((NUM_SC, _BLK, D), lambda i: (0, i, 0))


def _scale_in(x, hp):

    def body(x_ref, h_ref, g_ref, s_ref, r_ref):
        deg = h_ref[0] + h_ref[1] + 1.0
        s = lax.rsqrt(deg)
        s_ref[...] = s
        r_ref[...] = 1.0 / deg
        g_ref[...] = x_ref[...] * s

    return pl.pallas_call(
        body,
        grid=(N // _BLK,),
        in_specs=[
            _row_spec(),
            pl.BlockSpec((NUM_SC, _BLK, 1), lambda i: (0, i, 0)),
        ],
        out_specs=[_row_spec(), _col1_spec(), _col1_spec()],
        out_shape=[
            jax.ShapeDtypeStruct((N, D), jnp.float32),
            jax.ShapeDtypeStruct((N, 1), jnp.float32),
            jax.ShapeDtypeStruct((N, 1), jnp.float32),
        ],
    )(x, hp)


def _combine_mid(p, r):

    def body(p_ref, r_ref, m_ref):
        m_ref[...] = (p_ref[0] + p_ref[1]) * r_ref[...]

    return pl.pallas_call(
        body,
        grid=(N // _BLK,),
        in_specs=[_pair_spec(), _col1_spec()],
        out_specs=_row_spec(),
        out_shape=jax.ShapeDtypeStruct((N, D), jnp.float32),
    )(p, r)


def _combine_final(q, s, W, b2):

    def body(q_ref, s_ref, w_ref, b_ref, o_ref):
        h2 = (q_ref[0] + q_ref[1]) * s_ref[...]
        o_ref[...] = (
            lax.dot_general(
                h2,
                w_ref[...],
                (((1,), (1,)), ((), ())),
                preferred_element_type=jnp.float32,
            )
            + b_ref[...]
        )

    return pl.pallas_call(
        body,
        grid=(N // _BLK,),
        in_specs=[
            _pair_spec(),
            _col1_spec(),
            pl.BlockSpec((D, D), lambda i: (0, 0)),
            pl.BlockSpec((1, D), lambda i: (0, 0)),
        ],
        out_specs=_row_spec(),
        out_shape=jax.ShapeDtypeStruct((N, D), jnp.float32),
    )(q, s, W, b2)


@jax.jit
def kernel(x, edge_index, W, b):
    row3 = edge_index[0].reshape(NUM_WORKERS, NWIN, EWIN)
    col = edge_index[1]
    hist = _degree_partials(col)
    hp = hist.reshape(NUM_SC, NP, 1)
    g0, s, r = _scale_in(x, hp)
    p = _propagate_partials(g0, row3, col)
    m = _combine_mid(p, r)
    q = _propagate_partials(m, row3, col)
    return _combine_final(q, s, W, b.reshape(1, D))

# --- scband reference (transcript-rebuilt; emitter-appended) ---
"""Pipeline reference for scband-simplified-gcn-44959717654591 (READ-ONLY COPY).

The authoritative reference and input builder live on the scoring server;
editing this copy changes nothing except your own understanding.
"""

import jax, jax.numpy as jnp
import numpy as np

N_NODES = 10000
N_EDGES = 320000
D_IN = 128
D_OUT = 128
NUM_LAYERS = 2


def setup_inputs(seed: int = 0) -> dict:
    key = jax.random.key(seed)
    k1, k2, k3, k4 = jax.random.split(key, 4)
    x = jax.random.normal(k1, (N_NODES, D_IN), dtype=jnp.float32)
    edge_index = jax.random.randint(k2, (2, N_EDGES), 0, N_NODES, dtype=jnp.int32)
    # Linear layer params (torch nn.Linear: weight [out, in], bias [out])
    W = jax.random.normal(k3, (D_OUT, D_IN), dtype=jnp.float32) * (1.0 / np.sqrt(D_IN))
    b = jax.random.normal(k4, (D_OUT,), dtype=jnp.float32) * 0.01
    return {"x": x, "edge_index": edge_index, "W": W, "b": b}


def _normalize_adj(edge_index, num_nodes):
    loop = jnp.arange(num_nodes, dtype=edge_index.dtype)
    ei = jnp.concatenate([edge_index, jnp.stack([loop, loop], axis=0)], axis=1)
    row, col = ei[0], ei[1]
    deg = jnp.zeros((num_nodes,), dtype=jnp.float32).at[col].add(1.0)
    deg_inv_sqrt = jnp.where(deg > 0, deg ** -0.5, 0.0)
    w = deg_inv_sqrt[row] * deg_inv_sqrt[col]
    return ei, w


def _propagate(x, ei, ew):
    row, col = ei[0], ei[1]
    return jnp.zeros_like(x).at[row].add(x[col] * ew[:, None])


def reference(x, edge_index, W, b):
    num_nodes = x.shape[0]
    ei, ew = _normalize_adj(edge_index, num_nodes)
    h = x
    for _ in range(NUM_LAYERS):
        h = _propagate(h, ei, ew)
    # dropout p=0.0 (eval) -> no-op
    h = h @ W.T + b
    # final_activation is None -> no-op
    return h

if __name__ == "__main__":
    import jax
    _d = setup_inputs()
    print(jax.jit(kernel)(*tuple(_d.values())))

</pallas_src>

<mosaic_0001>
#map = affine_map<(d0, d1) -> (0)>
#map1 = affine_map<(d0, d1) -> (0, 0)>
module attributes {stable_mosaic.version = 14 : i64} {
  func.func @k(%arg0: i32, %arg1: i32, %arg2: memref<320000xi32, #tpu.memory_space<hbm>>, %arg3: memref<2x10240xf32, #tpu.memory_space<hbm>>, %arg4: memref<10240xf32, #tpu.memory_space<vmem_shared>>, %arg5: memref<2000xi32, #tpu.memory_space<vmem>>, %arg6: memref<2000xf32, #tpu.memory_space<vmem>>, %arg7: memref<640xf32, #tpu.memory_space<vmem>>) attributes {dimension_semantics = [#tpu.dimension_semantics<core_parallel>, #tpu.dimension_semantics<subcore_parallel>], iteration_bounds = array<i64: 2, 16>, scalar_prefetch = 0 : i64, scratch_operands = 4 : i64, tpu.core_type = #tpu.core_type<sc_vector_subcore>, window_params = [{transform_indices = #map}, {transform_indices = #map1}]} {
    %broadcast_in_dim3A = arith.constant 1.000000e+00 : f32
    %broadcast_in_dim3A_0 = vector.broadcast %broadcast_in_dim3A : f32 to vector<16xf32>
    %scan3A = arith.constant 0 : i32
    %scan3A_1 = arith.constant 125 : i32
    %scan3A_2 = arith.addi %scan3A, %scan3A_1 : i32
    %scan3A_3 = arith.constant 1 : i32
    scf.for %scan3A_25 = %scan3A to %scan3A_2 step %scan3A_3  : i32 {
      %mul3A_26 = arith.constant 16 : i32
      %mul3A_27 = arith.muli %scan3A_25, %mul3A_26 : i32
      %add3A_28 = arith.constant 0 : i32
      %add3A_29 = arith.addi %add3A_28, %mul3A_27 : i32
      %swap3A = arith.index_cast %add3A_29 : i32 to index
      %swap3A_30 = tpu.vector_load %arg6[%swap3A] {strides = array<i32>} : memref<2000xf32, #tpu.memory_space<vmem>>, vector<16xf32>,
      %swap3A_31 = vector.shape_cast %swap3A_30 : vector<16xf32> to vector<16xf32>
      %swap3A_32 = vector.shape_cast %broadcast_in_dim3A_0 : vector<16xf32> to vector<16xf32>
      tpu.vector_store %arg6[%swap3A], %swap3A_32 {strides = array<i32>} : memref<2000xf32, #tpu.memory_space<vmem>>, vector<16xf32>,
    }
    %scan3A_4 = arith.constant 125 : i32
    %broadcast_in_dim3A_5 = arith.constant 0.000000e+00 : f32
    %broadcast_in_dim3A_6 = vector.broadcast %broadcast_in_dim3A_5 : f32 to vector<16xf32>
    %scan3A_7 = arith.constant 0 : i32
    %scan3A_8 = arith.constant 40 : i32
    %scan3A_9 = arith.addi %scan3A_7, %scan3A_8 : i32
    %scan3A_10 = arith.constant 1 : i32
    scf.for %scan3A_25 = %scan3A_7 to %scan3A_9 step %scan3A_10  : i32 {
      %mul3A_26 = arith.constant 16 : i32
      %mul3A_27 = arith.muli %scan3A_25, %mul3A_26 : i32
      %add3A_28 = arith.constant 0 : i32
      %add3A_29 = arith.addi %add3A_28, %mul3A_27 : i32
      %swap3A = arith.index_cast %add3A_29 : i32 to index
      %swap3A_30 = tpu.vector_load %arg7[%swap3A] {strides = array<i32>} : memref<640xf32, #tpu.memory_space<vmem>>, vector<16xf32>,
      %swap3A_31 = vector.shape_cast %swap3A_30 : vector<16xf32> to vector<16xf32>
      %swap3A_32 = vector.shape_cast %broadcast_in_dim3A_6 : vector<16xf32> to vector<16xf32>
      tpu.vector_store %arg7[%swap3A], %swap3A_32 {strides = array<i32>} : memref<640xf32, #tpu.memory_space<vmem>>, vector<16xf32>,
    }
    %scan3A_11 = arith.constant 40 : i32
    %mul3A = arith.constant 640 : i32
    %mul3A_12 = arith.muli %arg1, %mul3A : i32
    "tpu.region"() ({
      %run_scoped3A = tpu.sem_alloc : memref<!tpu.dma_semaphore, #tpu.memory_space<semaphore_mem>>
      %dma_start3A = tpu.memref_slice %arg4[%mul3A_12] : memref<10240xf32, #tpu.memory_space<vmem_shared>> -> memref<640xf32, #tpu.memory_space<vmem_shared>>
      %dma_start3A_25 = tpu.memref_slice %arg4[%mul3A_12] : memref<10240xf32, #tpu.memory_space<vmem_shared>> -> memref<640xf32, #tpu.memory_space<vmem_shared>>
      tpu.enqueue_dma source(%arg7 : memref<640xf32, #tpu.memory_space<vmem>>) target(%dma_start3A_25 : memref<640xf32, #tpu.memory_space<vmem_shared>>) target_semaphore(%run_scoped3A : memref<!tpu.dma_semaphore, #tpu.memory_space<semaphore_mem>>)
      %dma_wait3A = tpu.memref_slice %arg4[%mul3A_12] : memref<10240xf32, #tpu.memory_space<vmem_shared>> -> memref<640xf32, #tpu.memory_space<vmem_shared>>
      %dma_wait3A_26 = tpu.memref_slice %arg4[%mul3A_12] : memref<10240xf32, #tpu.memory_space<vmem_shared>> -> memref<640xf32, #tpu.memory_space<vmem_shared>>
      tpu.wait_dma2 semaphore(%run_scoped3A : memref<!tpu.dma_semaphore, #tpu.memory_space<semaphore_mem>>) src(%arg7 : memref<640xf32, #tpu.memory_space<vmem>>) dst(%dma_wait3A_26 : memref<640xf32, #tpu.memory_space<vmem_shared>>)
      tpu.yield
    }) : () -> ()
    %barrier3A = arith.constant 0 : index
    tpu.barrier barrier_id(%barrier3A)
    %mul3A_13 = arith.constant 16 : i32
    %mul3A_14 = arith.muli %arg0, %mul3A_13 : i32
    %add3A = arith.addi %mul3A_14, %arg1 : i32
    %mul3A_15 = arith.constant 10000 : i32
    %mul3A_16 = arith.muli %add3A, %mul3A_15 : i32
    %scan3A_17 = arith.constant 0 : i32
    %scan3A_18 = arith.constant 5 : i32
    %scan3A_19 = arith.addi %scan3A_17, %scan3A_18 : i32
    %scan3A_20 = arith.constant 1 : i32
    scf.for %scan3A_25 = %scan3A_17 to %scan3A_19 step %scan3A_20  : i32 {
      %mul3A_26 = arith.constant 2000 : i32
      %mul3A_27 = arith.muli %scan3A_25, %mul3A_26 : i32
      %add3A_28 = arith.constant 0 : i32
      %add3A_29 = arith.addi %add3A_28, %mul3A_27 : i32
      %add3A_30 = arith.addi %mul3A_16, %add3A_29 : i32
      "tpu.region"() ({
        %run_scoped3A = tpu.sem_alloc : memref<!tpu.dma_semaphore, #tpu.memory_space<semaphore_mem>>
        %dma_start3A = tpu.memref_slice %arg2[%add3A_30] : memref<320000xi32, #tpu.memory_space<hbm>> -> memref<2000xi32, #tpu.memory_space<hbm>>
        %dma_start3A_31 = tpu.memref_slice %arg2[%add3A_30] : memref<320000xi32, #tpu.memory_space<hbm>> -> memref<2000xi32, #tpu.memory_space<hbm>>
        tpu.enqueue_dma source(%dma_start3A_31 : memref<2000xi32, #tpu.memory_space<hbm>>) target(%arg5 : memref<2000xi32, #tpu.memory_space<vmem>>) target_semaphore(%run_scoped3A : memref<!tpu.dma_semaphore, #tpu.memory_space<semaphore_mem>>)
        %dma_wait3A = tpu.memref_slice %arg2[%add3A_30] : memref<320000xi32, #tpu.memory_space<hbm>> -> memref<2000xi32, #tpu.memory_space<hbm>>
        %dma_wait3A_32 = tpu.memref_slice %arg2[%add3A_30] : memref<320000xi32, #tpu.memory_space<hbm>> -> memref<2000xi32, #tpu.memory_space<hbm>>
        tpu.wait_dma2 semaphore(%run_scoped3A : memref<!tpu.dma_semaphore, #tpu.memory_space<semaphore_mem>>) src(%dma_wait3A_32 : memref<2000xi32, #tpu.memory_space<hbm>>) dst(%arg5 : memref<2000xi32, #tpu.memory_space<vmem>>)
        tpu.yield
      }) : () -> ()
      "tpu.region"() ({
        %run_scoped3A = tpu.sem_alloc : memref<!tpu.dma_semaphore, #tpu.memory_space<semaphore_mem>>
        %dma_start3A = arith.constant 0 : i32
        %dma_start3A_31 = tpu.memref_slice %arg4[%dma_start3A] : memref<10240xf32, #tpu.memory_space<vmem_shared>> -> memref<10240xf32, #tpu.memory_space<vmem_shared>>
        tpu.enqueue_indirect_dma source(%arg6 : memref<2000xf32, #tpu.memory_space<vmem>>) target(%dma_start3A_31 : memref<10240xf32, #tpu.memory_space<vmem_shared>>) offsets(%arg5 : memref<2000xi32, #tpu.memory_space<vmem>>) semaphore(%run_scoped3A : memref<!tpu.dma_semaphore, #tpu.memory_space<semaphore_mem>>) {add = true}
        %dma_wait3A = arith.constant 0 : i32
        %dma_wait3A_32 = tpu.memref_slice %arg4[%dma_wait3A] : memref<10240xf32, #tpu.memory_space<vmem_shared>> -> memref<10240xf32, #tpu.memory_space<vmem_shared>>
        tpu.wait_indirect_dma semaphore(%run_scoped3A : memref<!tpu.dma_semaphore, #tpu.memory_space<semaphore_mem>>) src(%arg6 : memref<2000xf32, #tpu.memory_space<vmem>>) dst(%dma_wait3A_32 : memref<10240xf32, #tpu.memory_space<vmem_shared>>)
        tpu.yield
      }) : () -> ()
    }
    %scan3A_21 = arith.constant 5 : i32
    %barrier3A_22 = arith.constant 0 : index
    tpu.barrier barrier_id(%barrier3A_22)
    %mul3A_23 = arith.constant 640 : i32
    %mul3A_24 = arith.muli %arg1, %mul3A_23 : i32
    "tpu.region"() ({
      %run_scoped3A = tpu.sem_alloc : memref<!tpu.dma_semaphore, #tpu.memory_space<semaphore_mem>>
      %dma_start3A = arith.constant 0 : i32
      %dma_start3A_25 = tpu.memref_slice %arg3[%arg0, %dma_start3A] : memref<2x10240xf32, #tpu.memory_space<hbm>> -> memref<1x10240xf32, #tpu.memory_space<hbm>>
      %dma_start3A_26 = tpu.memref_squeeze %dma_start3A_25 : memref<1x10240xf32, #tpu.memory_space<hbm>> -> memref<10240xf32, #tpu.memory_space<hbm>>
      %dma_start3A_27 = tpu.memref_slice %dma_start3A_26[%mul3A_24] : memref<10240xf32, #tpu.memory_space<hbm>> -> memref<640xf32, #tpu.memory_space<hbm>>
      %dma_start3A_28 = tpu.memref_slice %arg4[%mul3A_24] : memref<10240xf32, #tpu.memory_space<vmem_shared>> -> memref<640xf32, #tpu.memory_space<vmem_shared>>
      tpu.enqueue_dma source(%dma_start3A_28 : memref<640xf32, #tpu.memory_space<vmem_shared>>) target(%dma_start3A_27 : memref<640xf32, #tpu.memory_space<hbm>>) target_semaphore(%run_scoped3A : memref<!tpu.dma_semaphore, #tpu.memory_space<semaphore_mem>>)
      %dma_wait3A = arith.constant 0 : i32
      %dma_wait3A_29 = tpu.memref_slice %arg3[%arg0, %dma_wait3A] : memref<2x10240xf32, #tpu.memory_space<hbm>> -> memref<1x10240xf32, #tpu.memory_space<hbm>>
      %dma_wait3A_30 = tpu.memref_squeeze %dma_wait3A_29 : memref<1x10240xf32, #tpu.memory_space<hbm>> -> memref<10240xf32, #tpu.memory_space<hbm>>
      %dma_wait3A_31 = tpu.memref_slice %dma_wait3A_30[%mul3A_24] : memref<10240xf32, #tpu.memory_space<hbm>> -> memref<640xf32, #tpu.memory_space<hbm>>
      %dma_wait3A_32 = tpu.memref_slice %arg4[%mul3A_24] : memref<10240xf32, #tpu.memory_space<vmem_shared>> -> memref<640xf32, #tpu.memory_space<vmem_shared>>
      tpu.wait_dma2 semaphore(%run_scoped3A : memref<!tpu.dma_semaphore, #tpu.memory_space<semaphore_mem>>) src(%dma_wait3A_32 : memref<640xf32, #tpu.memory_space<vmem_shared>>) dst(%dma_wait3A_31 : memref<640xf32, #tpu.memory_space<hbm>>)
      tpu.yield
    }) : () -> ()
    return
  }
}

#map = affine_map<(d0, d1) -> (0, 0)>
#map1 = affine_map<(d0, d1) -> (0, 0, 0)>
#map2 = affine_map<(d0, d1) -> (0)>
module attributes {stable_mosaic.version = 14 : i64} {
  func.func @k(%arg0: i32, %arg1: i32, %arg2: memref<10000x128xf32, #tpu.memory_space<hbm>>, %arg3: memref<32x125x80xi32, #tpu.memory_space<hbm>>, %arg4: memref<320000xi32, #tpu.memory_space<hbm>>, %arg5: memref<2x10240x128xf32, #tpu.memory_space<hbm>>, %arg6: memref<10240x128xf32, #tpu.memory_space<vmem_shared>>, %arg7: memref<10000xi32, #tpu.memory_space<vmem>>, %arg8: memref<125x80xi32, #tpu.memory_space<vmem>>, %arg9: memref<80x128xf32, #tpu.memory_space<vmem>>, %arg10: memref<80x128xf32, #tpu.memory_space<vmem>>, %arg11: memref<!tpu.dma_semaphore, #tpu.memory_space<semaphore_mem>>, %arg12: memref<!tpu.dma_semaphore, #tpu.memory_space<semaphore_mem>>, %arg13: memref<!tpu.dma_semaphore, #tpu.memory_space<semaphore_mem>>, %arg14: memref<!tpu.dma_semaphore, #tpu.memory_space<semaphore_mem>>) attributes {dimension_semantics = [#tpu.dimension_semantics<core_parallel>, #tpu.dimension_semantics<subcore_parallel>], iteration_bounds = array<i64: 2, 16>, scalar_prefetch = 0 : i64, scratch_operands = 9 : i64, tpu.core_type = #tpu.core_type<sc_vector_subcore>, window_params = [{transform_indices = #map}, {transform_indices = #map1}, {transform_indices = #map2}, {transform_indices = #map1}]} {
    %mul3A = arith.constant 16 : i32
    %mul3A_0 = arith.muli %arg0, %mul3A : i32
    %add3A = arith.addi %mul3A_0, %arg1 : i32
    %mul3A_1 = arith.constant 10000 : i32
    %mul3A_2 = arith.muli %add3A, %mul3A_1 : i32
    "tpu.region"() ({
      %run_scoped3A = tpu.sem_alloc : memref<!tpu.dma_semaphore, #tpu.memory_space<semaphore_mem>>
      %dma_start3A_53 = tpu.memref_slice %arg4[%mul3A_2] : memref<320000xi32, #tpu.memory_space<hbm>> -> memref<10000xi32, #tpu.memory_space<hbm>>
      %dma_start3A_54 = tpu.memref_slice %arg4[%mul3A_2] : memref<320000xi32, #tpu.memory_space<hbm>> -> memref<10000xi32, #tpu.memory_space<hbm>>
      tpu.enqueue_dma source(%dma_start3A_54 : memref<10000xi32, #tpu.memory_space<hbm>>) target(%arg7 : memref<10000xi32, #tpu.memory_space<vmem>>) target_semaphore(%run_scoped3A : memref<!tpu.dma_semaphore, #tpu.memory_space<semaphore_mem>>)
      %dma_wait3A_55 = tpu.memref_slice %arg4[%mul3A_2] : memref<320000xi32, #tpu.memory_space<hbm>> -> memref<10000xi32, #tpu.memory_space<hbm>>
      %dma_wait3A_56 = tpu.memref_slice %arg4[%mul3A_2] : memref<320000xi32, #tpu.memory_space<hbm>> -> memref<10000xi32, #tpu.memory_space<hbm>>
      tpu.wait_dma2 semaphore(%run_scoped3A : memref<!tpu.dma_semaphore, #tpu.memory_space<semaphore_mem>>) src(%dma_wait3A_56 : memref<10000xi32, #tpu.memory_space<hbm>>) dst(%arg7 : memref<10000xi32, #tpu.memory_space<vmem>>)
      tpu.yield
    }) : () -> ()
    "tpu.region"() ({
      %run_scoped3A = tpu.sem_alloc : memref<!tpu.dma_semaphore, #tpu.memory_space<semaphore_mem>>
      %dma_start3A_53 = arith.constant 0 : i32
      %dma_start3A_54 = arith.constant 0 : i32
      %dma_start3A_55 = tpu.memref_slice %arg3[%add3A, %dma_start3A_53, %dma_start3A_54] : memref<32x125x80xi32, #tpu.memory_space<hbm>> -> memref<1x125x80xi32, #tpu.memory_space<hbm>>
      %dma_start3A_56 = tpu.memref_squeeze %dma_start3A_55 : memref<1x125x80xi32, #tpu.memory_space<hbm>> -> memref<125x80xi32, #tpu.memory_space<hbm>>
      %dma_start3A_57 = arith.constant 0 : i32
      %dma_start3A_58 = arith.constant 0 : i32
      %dma_start3A_59 = tpu.memref_slice %arg3[%add3A, %dma_start3A_57, %dma_start3A_58] : memref<32x125x80xi32, #tpu.memory_space<hbm>> -> memref<1x125x80xi32, #tpu.memory_space<hbm>>
      %dma_start3A_60 = tpu.memref_squeeze %dma_start3A_59 : memref<1x125x80xi32, #tpu.memory_space<hbm>> -> memref<125x80xi32, #tpu.memory_space<hbm>>
      tpu.enqueue_dma source(%dma_start3A_60 : memref<125x80xi32, #tpu.memory_space<hbm>>) target(%arg8 : memref<125x80xi32, #tpu.memory_space<vmem>>) target_semaphore(%run_scoped3A : memref<!tpu.dma_semaphore, #tpu.memory_space<semaphore_mem>>)
      %dma_wait3A_61 = arith.constant 0 : i32
      %dma_wait3A_62 = arith.constant 0 : i32
      %dma_wait3A_63 = tpu.memref_slice %arg3[%add3A, %dma_wait3A_61, %dma_wait3A_62] : memref<32x125x80xi32, #tpu.memory_space<hbm>> -> memref<1x125x80xi32, #tpu.memory_space<hbm>>
      %dma_wait3A_64 = tpu.memref_squeeze %dma_wait3A_63 : memref<1x125x80xi32, #tpu.memory_space<hbm>> -> memref<125x80xi32, #tpu.memory_space<hbm>>
      %dma_wait3A_65 = arith.constant 0 : i32
      %dma_wait3A_66 = arith.constant 0 : i32
      %dma_wait3A_67 = tpu.memref_slice %arg3[%add3A, %dma_wait3A_65, %dma_wait3A_66] : memref<32x125x80xi32, #tpu.memory_space<hbm>> -> memref<1x125x80xi32, #tpu.memory_space<hbm>>
      %dma_wait3A_68 = tpu.memref_squeeze %dma_wait3A_67 : memref<1x125x80xi32, #tpu.memory_space<hbm>> -> memref<125x80xi32, #tpu.memory_space<hbm>>
      tpu.wait_dma2 semaphore(%run_scoped3A : memref<!tpu.dma_semaphore, #tpu.memory_space<semaphore_mem>>) src(%dma_wait3A_68 : memref<125x80xi32, #tpu.memory_space<hbm>>) dst(%arg8 : memref<125x80xi32, #tpu.memory_space<vmem>>)
      tpu.yield
    }) : () -> ()
    %broadcast_in_dim3A = arith.constant 0.000000e+00 : f32
    %broadcast_in_dim3A_3 = vector.broadcast %broadcast_in_dim3A : f32 to vector<16xf32>
    %scan3A = arith.constant 0 : i32
    %scan3A_4 = arith.constant 80 : i32
    %scan3A_5 = arith.addi %scan3A, %scan3A_4 : i32
    %scan3A_6 = arith.constant 1 : i32
    scf.for %scan3A_53 = %scan3A to %scan3A_5 step %scan3A_6  : i32 {
      %mul3A_54 = arith.constant 1 : i32
      %mul3A_55 = arith.muli %scan3A_53, %mul3A_54 : i32
      %add3A_56 = arith.constant 0 : i32
      %add3A_57 = arith.addi %add3A_56, %mul3A_55 : i32
      %scan3A_58 = arith.constant 0 : i32
      %scan3A_59 = arith.constant 8 : i32
      %scan3A_60 = arith.addi %scan3A_58, %scan3A_59 : i32
      %scan3A_61 = arith.constant 1 : i32
      scf.for %scan3A_63 = %scan3A_58 to %scan3A_60 step %scan3A_61  : i32 {
        %mul3A_64 = arith.constant 16 : i32
        %mul3A_65 = arith.muli %scan3A_63, %mul3A_64 : i32
        %add3A_66 = arith.constant 0 : i32
        %add3A_67 = arith.addi %add3A_66, %mul3A_65 : i32
        %swap3A = arith.index_cast %add3A_57 : i32 to index
        %swap3A_68 = arith.index_cast %add3A_67 : i32 to index
        %swap3A_69 = tpu.vector_load %arg9[%swap3A, %swap3A_68] {strides = array<i32>} : memref<80x128xf32, #tpu.memory_space<vmem>>, vector<1x16xf32>,
        %swap3A_70 = vector.shape_cast %swap3A_69 : vector<1x16xf32> to vector<16xf32>
        %swap3A_71 = vector.shape_cast %broadcast_in_dim3A_3 : vector<16xf32> to vector<1x16xf32>
        tpu.vector_store %arg9[%swap3A, %swap3A_68], %swap3A_71 {strides = array<i32>} : memref<80x128xf32, #tpu.memory_space<vmem>>, vector<1x16xf32>,
      }
      %scan3A_62 = arith.constant 8 : i32
    }
    %scan3A_7 = arith.constant 80 : i32
    %scan3A_8 = arith.constant 0 : i32
    %scan3A_9 = arith.constant 8 : i32
    %scan3A_10 = arith.addi %scan3A_8, %scan3A_9 : i32
    %scan3A_11 = arith.constant 1 : i32
    scf.for %scan3A_53 = %scan3A_8 to %scan3A_10 step %scan3A_11  : i32 {
      %mul3A_54 = arith.constant 80 : i32
      %mul3A_55 = arith.muli %scan3A_53, %mul3A_54 : i32
      %add3A_56 = arith.constant 0 : i32
      %add3A_57 = arith.addi %add3A_56, %mul3A_55 : i32
      %mul3A_58 = arith.constant 640 : i32
      %mul3A_59 = arith.muli %arg1, %mul3A_58 : i32
      %add3A_60 = arith.addi %mul3A_59, %add3A_57 : i32
      %eq3A = arith.constant 0 : i32
      %eq3A_61 = arith.cmpi eq, %arg0, %eq3A : i32
      %lt3A = arith.constant 10000 : i32
      %lt3A_62 = arith.cmpi slt, %add3A_60, %lt3A : i32
      %and3A = arith.andi %eq3A_61, %lt3A_62 : i1
      %convert_element_type3A = arith.extui %and3A : i1 to i32
      %cond3A = arith.constant 0 : i32
      %cond3A_63 = arith.cmpi ne, %convert_element_type3A, %cond3A : i32
      scf.if %cond3A_63 {
        "tpu.region"() ({
          %run_scoped3A = tpu.sem_alloc : memref<!tpu.dma_semaphore, #tpu.memory_space<semaphore_mem>>
          %dma_start3A_68 = arith.constant 0 : i32
          %dma_start3A_69 = tpu.memref_slice %arg6[%add3A_60, %dma_start3A_68] : memref<10240x128xf32, #tpu.memory_space<vmem_shared>> -> memref<80x128xf32, #tpu.memory_space<vmem_shared>>
          %dma_start3A_70 = arith.constant 0 : i32
          %dma_start3A_71 = tpu.memref_slice %arg2[%add3A_60, %dma_start3A_70] : memref<10000x128xf32, #tpu.memory_space<hbm>> -> memref<80x128xf32, #tpu.memory_space<hbm>>
          tpu.enqueue_dma source(%dma_start3A_71 : memref<80x128xf32, #tpu.memory_space<hbm>>) target(%dma_start3A_69 : memref<80x128xf32, #tpu.memory_space<vmem_shared>>) target_semaphore(%run_scoped3A : memref<!tpu.dma_semaphore, #tpu.memory_space<semaphore_mem>>)
          %dma_wait3A_72 = arith.constant 0 : i32
          %dma_wait3A_73 = tpu.memref_slice %arg6[%add3A_60, %dma_wait3A_72] : memref<10240x128xf32, #tpu.memory_space<vmem_shared>> -> memref<80x128xf32, #tpu.memory_space<vmem_shared>>
          %dma_wait3A_74 = arith.constant 0 : i32
          %dma_wait3A_75 = tpu.memref_slice %arg2[%add3A_60, %dma_wait3A_74] : memref<10000x128xf32, #tpu.memory_space<hbm>> -> memref<80x128xf32, #tpu.memory_space<hbm>>
          tpu.wait_dma2 semaphore(%run_scoped3A : memref<!tpu.dma_semaphore, #tpu.memory_space<semaphore_mem>>) src(%dma_wait3A_75 : memref<80x128xf32, #tpu.memory_space<hbm>>) dst(%dma_wait3A_73 : memref<80x128xf32, #tpu.memory_space<vmem_shared>>)
          tpu.yield
        }) : () -> ()
      } else {
      }
      %not3A = arith.constant true
      %not3A_64 = arith.xori %and3A, %not3A : i1
      %convert_element_type3A_65 = arith.extui %not3A_64 : i1 to i32
      %cond3A_66 = arith.constant 0 : i32
      %cond3A_67 = arith.cmpi ne, %convert_element_type3A_65, %cond3A_66 : i32
      scf.if %cond3A_67 {
        "tpu.region"() ({
          %run_scoped3A = tpu.sem_alloc : memref<!tpu.dma_semaphore, #tpu.memory_space<semaphore_mem>>
          %dma_start3A_68 = arith.constant 0 : i32
          %dma_start3A_69 = tpu.memref_slice %arg6[%add3A_60, %dma_start3A_68] : memref<10240x128xf32, #tpu.memory_space<vmem_shared>> -> memref<80x128xf32, #tpu.memory_space<vmem_shared>>
          %dma_start3A_70 = arith.constant 0 : i32
          %dma_start3A_71 = tpu.memref_slice %arg6[%add3A_60, %dma_start3A_70] : memref<10240x128xf32, #tpu.memory_space<vmem_shared>> -> memref<80x128xf32, #tpu.memory_space<vmem_shared>>
          tpu.enqueue_dma source(%arg9 : memref<80x128xf32, #tpu.memory_space<vmem>>) target(%dma_start3A_71 : memref<80x128xf32, #tpu.memory_space<vmem_shared>>) target_semaphore(%run_scoped3A : memref<!tpu.dma_semaphore, #tpu.memory_space<semaphore_mem>>)
          %dma_wait3A_72 = arith.constant 0 : i32
          %dma_wait3A_73 = tpu.memref_slice %arg6[%add3A_60, %dma_wait3A_72] : memref<10240x128xf32, #tpu.memory_space<vmem_shared>> -> memref<80x128xf32, #tpu.memory_space<vmem_shared>>
          %dma_wait3A_74 = arith.constant 0 : i32
          %dma_wait3A_75 = tpu.memref_slice %arg6[%add3A_60, %dma_wait3A_74] : memref<10240x128xf32, #tpu.memory_space<vmem_shared>> -> memref<80x128xf32, #tpu.memory_space<vmem_shared>>
          tpu.wait_dma2 semaphore(%run_scoped3A : memref<!tpu.dma_semaphore, #tpu.memory_space<semaphore_mem>>) src(%arg9 : memref<80x128xf32, #tpu.memory_space<vmem>>) dst(%dma_wait3A_75 : memref<80x128xf32, #tpu.memory_space<vmem_shared>>)
          tpu.yield
        }) : () -> ()
      } else {
      }
    }
    %scan3A_12 = arith.constant 8 : i32
    %barrier3A = arith.constant 0 : index
    tpu.barrier barrier_id(%barrier3A)
    %dma_start3A = arith.constant 0 : i32
    %dma_start3A_13 = tpu.memref_slice %arg7[%dma_start3A] : memref<10000xi32, #tpu.memory_space<vmem>> -> memref<80xi32, #tpu.memory_space<vmem>>
    %dma_start3A_14 = arith.constant 0 : i32
    %dma_start3A_15 = arith.constant 0 : i32
    %dma_start3A_16 = tpu.memref_slice %arg2[%dma_start3A_14, %dma_start3A_15] : memref<10000x128xf32, #tpu.memory_space<hbm>> -> memref<10000x128xf32, #tpu.memory_space<hbm>>
    tpu.enqueue_indirect_dma source(%dma_start3A_16 : memref<10000x128xf32, #tpu.memory_space<hbm>>) target(%arg9 : memref<80x128xf32, #tpu.memory_space<vmem>>) offsets(%dma_start3A_13 : memref<80xi32, #tpu.memory_space<vmem>>) semaphore(%arg11 : memref<!tpu.dma_semaphore, #tpu.memory_space<semaphore_mem>>)
    %dma_start3A_17 = arith.constant 80 : i32
    %dma_start3A_18 = tpu.memref_slice %arg7[%dma_start3A_17] : memref<10000xi32, #tpu.memory_space<vmem>> -> memref<80xi32, #tpu.memory_space<vmem>>
    %dma_start3A_19 = arith.constant 0 : i32
    %dma_start3A_20 = arith.constant 0 : i32
    %dma_start3A_21 = tpu.memref_slice %arg2[%dma_start3A_19, %dma_start3A_20] : memref<10000x128xf32, #tpu.memory_space<hbm>> -> memref<10000x128xf32, #tpu.memory_space<hbm>>
    tpu.enqueue_indirect_dma source(%dma_start3A_21 : memref<10000x128xf32, #tpu.memory_space<hbm>>) target(%arg10 : memref<80x128xf32, #tpu.memory_space<vmem>>) offsets(%dma_start3A_18 : memref<80xi32, #tpu.memory_space<vmem>>) semaphore(%arg12 : memref<!tpu.dma_semaphore, #tpu.memory_space<semaphore_mem>>)
    %dma_wait3A = arith.constant 0 : i32
    %dma_wait3A_22 = tpu.memref_slice %arg7[%dma_wait3A] : memref<10000xi32, #tpu.memory_space<vmem>> -> memref<80xi32, #tpu.memory_space<vmem>>
    %dma_wait3A_23 = arith.constant 0 : i32
    %dma_wait3A_24 = arith.constant 0 : i32
    %dma_wait3A_25 = tpu.memref_slice %arg2[%dma_wait3A_23, %dma_wait3A_24] : memref<10000x128xf32, #tpu.memory_space<hbm>> -> memref<10000x128xf32, #tpu.memory_space<hbm>>
    tpu.wait_indirect_dma semaphore(%arg11 : memref<!tpu.dma_semaphore, #tpu.memory_space<semaphore_mem>>) src(%dma_wait3A_25 : memref<10000x128xf32, #tpu.memory_space<hbm>>) dst(%arg9 : memref<80x128xf32, #tpu.memory_space<vmem>>)
    %dma_start3A_26 = arith.constant 0 : i32
    %dma_start3A_27 = arith.constant 0 : i32
    %dma_start3A_28 = tpu.memref_slice %arg8[%dma_start3A_26, %dma_start3A_27] : memref<125x80xi32, #tpu.memory_space<vmem>> -> memref<1x80xi32, #tpu.memory_space<vmem>>
    %dma_start3A_29 = tpu.memref_squeeze %dma_start3A_28 : memref<1x80xi32, #tpu.memory_space<vmem>> -> memref<80xi32, #tpu.memory_space<vmem>>
    %dma_start3A_30 = arith.constant 0 : i32
    %dma_start3A_31 = arith.constant 0 : i32
    %dma_start3A_32 = tpu.memref_slice %arg6[%dma_start3A_30, %dma_start3A_31] : memref<10240x128xf32, #tpu.memory_space<vmem_shared>> -> memref<10240x128xf32, #tpu.memory_space<vmem_shared>>
    tpu.enqueue_indirect_dma source(%arg9 : memref<80x128xf32, #tpu.memory_space<vmem>>) target(%dma_start3A_32 : memref<10240x128xf32, #tpu.memory_space<vmem_shared>>) offsets(%dma_start3A_29 : memref<80xi32, #tpu.memory_space<vmem>>) semaphore(%arg13 : memref<!tpu.dma_semaphore, #tpu.memory_space<semaphore_mem>>) {add = true}
    %scan3A_33 = arith.constant 0 : i32
    %scan3A_34 = arith.constant 62 : i32
    %scan3A_35 = arith.addi %scan3A_33, %scan3A_34 : i32
    %scan3A_36 = arith.constant 1 : i32
    scf.for %scan3A_53 = %scan3A_33 to %scan3A_35 step %scan3A_36  : i32 {
      %mul3A_54 = arith.constant 2 : i32
      %mul3A_55 = arith.muli %scan3A_53, %mul3A_54 : i32
      %add3A_56 = arith.constant 1 : i32
      %add3A_57 = arith.addi %add3A_56, %mul3A_55 : i32
      %dma_wait3A_58 = arith.constant 0 : i32
      %dma_wait3A_59 = arith.constant 0 : i32
      %dma_wait3A_60 = tpu.memref_slice %arg8[%dma_wait3A_58, %dma_wait3A_59] : memref<125x80xi32, #tpu.memory_space<vmem>> -> memref<1x80xi32, #tpu.memory_space<vmem>>
      %dma_wait3A_61 = tpu.memref_squeeze %dma_wait3A_60 : memref<1x80xi32, #tpu.memory_space<vmem>> -> memref<80xi32, #tpu.memory_space<vmem>>
      %dma_wait3A_62 = arith.constant 0 : i32
      %dma_wait3A_63 = arith.constant 0 : i32
      %dma_wait3A_64 = tpu.memref_slice %arg6[%dma_wait3A_62, %dma_wait3A_63] : memref<10240x128xf32, #tpu.memory_space<vmem_shared>> -> memref<10240x128xf32, #tpu.memory_space<vmem_shared>>
      tpu.wait_indirect_dma semaphore(%arg13 : memref<!tpu.dma_semaphore, #tpu.memory_space<semaphore_mem>>) src(%arg9 : memref<80x128xf32, #tpu.memory_space<vmem>>) dst(%dma_wait3A_64 : memref<10240x128xf32, #tpu.memory_space<vmem_shared>>)
      %add3A_65 = arith.constant 1 : i32
      %add3A_66 = arith.addi %add3A_57, %add3A_65 : i32
      %min3A = arith.constant 124 : i32
      %min3A_67 = arith.minsi %add3A_66, %min3A : i32
      %mul3A_68 = arith.constant 80 : i32
      %mul3A_69 = arith.muli %min3A_67, %mul3A_68 : i32
      %dma_start3A_70 = tpu.memref_slice %arg7[%mul3A_69] : memref<10000xi32, #tpu.memory_space<vmem>> -> memref<80xi32, #tpu.memory_space<vmem>>
      %dma_start3A_71 = arith.constant 0 : i32
      %dma_start3A_72 = arith.constant 0 : i32
      %dma_start3A_73 = tpu.memref_slice %arg2[%dma_start3A_71, %dma_start3A_72] : memref<10000x128xf32, #tpu.memory_space<hbm>> -> memref<10000x128xf32, #tpu.memory_space<hbm>>
      tpu.enqueue_indirect_dma source(%dma_start3A_73 : memref<10000x128xf32, #tpu.memory_space<hbm>>) target(%arg9 : memref<80x128xf32, #tpu.memory_space<vmem>>) offsets(%dma_start3A_70 : memref<80xi32, #tpu.memory_space<vmem>>) semaphore(%arg11 : memref<!tpu.dma_semaphore, #tpu.memory_space<semaphore_mem>>)
      %dma_wait3A_74 = arith.constant 0 : i32
      %dma_wait3A_75 = tpu.memref_slice %arg7[%dma_wait3A_74] : memref<10000xi32, #tpu.memory_space<vmem>> -> memref<80xi32, #tpu.memory_space<vmem>>
      %dma_wait3A_76 = arith.constant 0 : i32
      %dma_wait3A_77 = arith.constant 0 : i32
      %dma_wait3A_78 = tpu.memref_slice %arg2[%dma_wait3A_76, %dma_wait3A_77] : memref<10000x128xf32, #tpu.memory_space<hbm>> -> memref<10000x128xf32, #tpu.memory_space<hbm>>
      tpu.wait_indirect_dma semaphore(%arg12 : memref<!tpu.dma_semaphore, #tpu.memory_space<semaphore_mem>>) src(%dma_wait3A_78 : memref<10000x128xf32, #tpu.memory_space<hbm>>) dst(%arg10 : memref<80x128xf32, #tpu.memory_space<vmem>>)
      %dma_start3A_79 = arith.constant 0 : i32
      %dma_start3A_80 = tpu.memref_slice %arg8[%add3A_57, %dma_start3A_79] : memref<125x80xi32, #tpu.memory_space<vmem>> -> memref<1x80xi32, #tpu.memory_space<vmem>>
      %dma_start3A_81 = tpu.memref_squeeze %dma_start3A_80 : memref<1x80xi32, #tpu.memory_space<vmem>> -> memref<80xi32, #tpu.memory_space<vmem>>
      %dma_start3A_82 = arith.constant 0 : i32
      %dma_start3A_83 = arith.constant 0 : i32
      %dma_start3A_84 = tpu.memref_slice %arg6[%dma_start3A_82, %dma_start3A_83] : memref<10240x128xf32, #tpu.memory_space<vmem_shared>> -> memref<10240x128xf32, #tpu.memory_space<vmem_shared>>
      tpu.enqueue_indirect_dma source(%arg10 : memref<80x128xf32, #tpu.memory_space<vmem>>) target(%dma_start3A_84 : memref<10240x128xf32, #tpu.memory_space<vmem_shared>>) offsets(%dma_start3A_81 : memref<80xi32, #tpu.memory_space<vmem>>) semaphore(%arg14 : memref<!tpu.dma_semaphore, #tpu.memory_space<semaphore_mem>>) {add = true}
      %dma_wait3A_85 = arith.constant 0 : i32
      %dma_wait3A_86 = arith.constant 0 : i32
      %dma_wait3A_87 = tpu.memref_slice %arg8[%dma_wait3A_85, %dma_wait3A_86] : memref<125x80xi32, #tpu.memory_space<vmem>> -> memref<1x80xi32, #tpu.memory_space<vmem>>
      %dma_wait3A_88 = tpu.memref_squeeze %dma_wait3A_87 : memref<1x80xi32, #tpu.memory_space<vmem>> -> memref<80xi32, #tpu.memory_space<vmem>>
      %dma_wait3A_89 = arith.constant 0 : i32
      %dma_wait3A_90 = arith.constant 0 : i32
      %dma_wait3A_91 = tpu.memref_slice %arg6[%dma_wait3A_89, %dma_wait3A_90] : memref<10240x128xf32, #tpu.memory_space<vmem_shared>> -> memref<10240x128xf32, #tpu.memory_space<vmem_shared>>
      tpu.wait_indirect_dma semaphore(%arg14 : memref<!tpu.dma_semaphore, #tpu.memory_space<semaphore_mem>>) src(%arg10 : memref<80x128xf32, #tpu.memory_space<vmem>>) dst(%dma_wait3A_91 : memref<10240x128xf32, #tpu.memory_space<vmem_shared>>)
      %add3A_92 = arith.constant 2 : i32
      %add3A_93 = arith.addi %add3A_57, %add3A_92 : i32
      %min3A_94 = arith.constant 124 : i32
      %min3A_95 = arith.minsi %add3A_93, %min3A_94 : i32
      %mul3A_96 = arith.constant 80 : i32
      %mul3A_97 = arith.muli %min3A_95, %mul3A_96 : i32
      %dma_start3A_98 = tpu.memref_slice %arg7[%mul3A_97] : memref<10000xi32, #tpu.memory_space<vmem>> -> memref<80xi32, #tpu.memory_space<vmem>>
      %dma_start3A_99 = arith.constant 0 : i32
      %dma_start3A_100 = arith.constant 0 : i32
      %dma_start3A_101 = tpu.memref_slice %arg2[%dma_start3A_99, %dma_start3A_100] : memref<10000x128xf32, #tpu.memory_space<hbm>> -> memref<10000x128xf32, #tpu.memory_space<hbm>>
      tpu.enqueue_indirect_dma source(%dma_start3A_101 : memref<10000x128xf32, #tpu.memory_space<hbm>>) target(%arg10 : memref<80x128xf32, #tpu.memory_space<vmem>>) offsets(%dma_start3A_98 : memref<80xi32, #tpu.memory_space<vmem>>) semaphore(%arg12 : memref<!tpu.dma_semaphore, #tpu.memory_space<semaphore_mem>>)
      %dma_wait3A_102 = arith.constant 0 : i32
      %dma_wait3A_103 = tpu.memref_slice %arg7[%dma_wait3A_102] : memref<10000xi32, #tpu.memory_space<vmem>> -> memref<80xi32, #tpu.memory_space<vmem>>
      %dma_wait3A_104 = arith.constant 0 : i32
      %dma_wait3A_105 = arith.constant 0 : i32
      %dma_wait3A_106 = tpu.memref_slice %arg2[%dma_wait3A_104, %dma_wait3A_105] : memref<10000x128xf32, #tpu.memory_space<hbm>> -> memref<10000x128xf32, #tpu.memory_space<hbm>>
      tpu.wait_indirect_dma semaphore(%arg11 : memref<!tpu.dma_semaphore, #tpu.memory_space<semaphore_mem>>) src(%dma_wait3A_106 : memref<10000x128xf32, #tpu.memory_space<hbm>>) dst(%arg9 : memref<80x128xf32, #tpu.memory_space<vmem>>)
      %add3A_107 = arith.constant 1 : i32
      %add3A_108 = arith.addi %add3A_57, %add3A_107 : i32
      %dma_start3A_109 = arith.constant 0 : i32
      %dma_start3A_110 = tpu.memref_slice %arg8[%add3A_108, %dma_start3A_109] : memref<125x80xi32, #tpu.memory_space<vmem>> -> memref<1x80xi32, #tpu.memory_space<vmem>>
      %dma_start3A_111 = tpu.memref_squeeze %dma_start3A_110 : memref<1x80xi32, #tpu.memory_space<vmem>> -> memref<80xi32, #tpu.memory_space<vmem>>
      %dma_start3A_112 = arith.constant 0 : i32
      %dma_start3A_113 = arith.constant 0 : i32
      %dma_start3A_114 = tpu.memref_slice %arg6[%dma_start3A_112, %dma_start3A_113] : memref<10240x128xf32, #tpu.memory_space<vmem_shared>> -> memref<10240x128xf32, #tpu.memory_space<vmem_shared>>
      tpu.enqueue_indirect_dma source(%arg9 : memref<80x128xf32, #tpu.memory_space<vmem>>) target(%dma_start3A_114 : memref<10240x128xf32, #tpu.memory_space<vmem_shared>>) offsets(%dma_start3A_111 : memref<80xi32, #tpu.memory_space<vmem>>) semaphore(%arg13 : memref<!tpu.dma_semaphore, #tpu.memory_space<semaphore_mem>>) {add = true}
    }
    %scan3A_37 = arith.constant 62 : i32
    %dma_wait3A_38 = arith.constant 0 : i32
    %dma_wait3A_39 = arith.constant 0 : i32
    %dma_wait3A_40 = tpu.memref_slice %arg8[%dma_wait3A_38, %dma_wait3A_39] : memref<125x80xi32, #tpu.memory_space<vmem>> -> memref<1x80xi32, #tpu.memory_space<vmem>>
    %dma_wait3A_41 = tpu.memref_squeeze %dma_wait3A_40 : memref<1x80xi32, #tpu.memory_space<vmem>> -> memref<80xi32, #tpu.memory_space<vmem>>
    %dma_wait3A_42 = arith.constant 0 : i32
    %dma_wait3A_43 = arith.constant 0 : i32
    %dma_wait3A_44 = tpu.memref_slice %arg6[%dma_wait3A_42, %dma_wait3A_43] : memref<10240x128xf32, #tpu.memory_space<vmem_shared>> -> memref<10240x128xf32, #tpu.memory_space<vmem_shared>>
    tpu.wait_indirect_dma semaphore(%arg13 : memref<!tpu.dma_semaphore, #tpu.memory_space<semaphore_mem>>) src(%arg9 : memref<80x128xf32, #tpu.memory_space<vmem>>) dst(%dma_wait3A_44 : memref<10240x128xf32, #tpu.memory_space<vmem_shared>>)
    %dma_wait3A_45 = arith.constant 0 : i32
    %dma_wait3A_46 = tpu.memref_slice %arg7[%dma_wait3A_45] : memref<10000xi32, #tpu.memory_space<vmem>> -> memref<80xi32, #tpu.memory_space<vmem>>
    %dma_wait3A_47 = arith.constant 0 : i32
    %dma_wait3A_48 = arith.constant 0 : i32
    %dma_wait3A_49 = tpu.memref_slice %arg2[%dma_wait3A_47, %dma_wait3A_48] : memref<10000x128xf32, #tpu.memory_space<hbm>> -> memref<10000x128xf32, #tpu.memory_space<hbm>>
    tpu.wait_indirect_dma semaphore(%arg12 : memref<!tpu.dma_semaphore, #tpu.memory_space<semaphore_mem>>) src(%dma_wait3A_49 : memref<10000x128xf32, #tpu.memory_space<hbm>>) dst(%arg10 : memref<80x128xf32, #tpu.memory_space<vmem>>)
    %barrier3A_50 = arith.constant 0 : index
    tpu.barrier barrier_id(%barrier3A_50)
    %mul3A_51 = arith.constant 640 : i32
    %mul3A_52 = arith.muli %arg1, %mul3A_51 : i32
    "tpu.region"() ({
      %run_scoped3A = tpu.sem_alloc : memref<!tpu.dma_semaphore, #tpu.memory_space<semaphore_mem>>
      %dma_start3A_53 = arith.constant 0 : i32
      %dma_start3A_54 = arith.constant 0 : i32
      %dma_start3A_55 = tpu.memref_slice %arg5[%arg0, %dma_start3A_53, %dma_start3A_54] : memref<2x10240x128xf32, #tpu.memory_space<hbm>> -> memref<1x10240x128xf32, #tpu.memory_space<hbm>>
      %dma_start3A_56 = tpu.memref_squeeze %dma_start3A_55 : memref<1x10240x128xf32, #tpu.memory_space<hbm>> -> memref<10240x128xf32, #tpu.memory_space<hbm>>
      %dma_start3A_57 = arith.constant 0 : i32
      %dma_start3A_58 = tpu.memref_slice %dma_start3A_56[%mul3A_52, %dma_start3A_57] : memref<10240x128xf32, #tpu.memory_space<hbm>> -> memref<640x128xf32, #tpu.memory_space<hbm>>
      %dma_start3A_59 = arith.constant 0 : i32
      %dma_start3A_60 = tpu.memref_slice %arg6[%mul3A_52, %dma_start3A_59] : memref<10240x128xf32, #tpu.memory_space<vmem_shared>> -> memref<640x128xf32, #tpu.memory_space<vmem_shared>>
      tpu.enqueue_dma source(%dma_start3A_60 : memref<640x128xf32, #tpu.memory_space<vmem_shared>>) target(%dma_start3A_58 : memref<640x128xf32, #tpu.memory_space<hbm>>) target_semaphore(%run_scoped3A : memref<!tpu.dma_semaphore, #tpu.memory_space<semaphore_mem>>)
      %dma_wait3A_61 = arith.constant 0 : i32
      %dma_wait3A_62 = arith.constant 0 : i32
      %dma_wait3A_63 = tpu.memref_slice %arg5[%arg0, %dma_wait3A_61, %dma_wait3A_62] : memref<2x10240x128xf32, #tpu.memory_space<hbm>> -> memref<1x10240x128xf32, #tpu.memory_space<hbm>>
      %dma_wait3A_64 = tpu.memref_squeeze %dma_wait3A_63 : memref<1x10240x128xf32, #tpu.memory_space<hbm>> -> memref<10240x128xf32, #tpu.memory_space<hbm>>
      %dma_wait3A_65 = arith.constant 0 : i32
      %dma_wait3A_66 = tpu.memref_slice %dma_wait3A_64[%mul3A_52, %dma_wait3A_65] : memref<10240x128xf32, #tpu.memory_space<hbm>> -> memref<640x128xf32, #tpu.memory_space<hbm>>
      %dma_wait3A_67 = arith.constant 0 : i32
      %dma_wait3A_68 = tpu.memref_slice %arg6[%mul3A_52, %dma_wait3A_67] : memref<10240x128xf32, #tpu.memory_space<vmem_shared>> -> memref<640x128xf32, #tpu.memory_space<vmem_shared>>
      tpu.wait_dma2 semaphore(%run_scoped3A : memref<!tpu.dma_semaphore, #tpu.memory_space<semaphore_mem>>) src(%dma_wait3A_68 : memref<640x128xf32, #tpu.memory_space<vmem_shared>>) dst(%dma_wait3A_66 : memref<640x128xf32, #tpu.memory_space<hbm>>)
      tpu.yield
    }) : () -> ()
    return
  }
}

#map = affine_map<(d0, d1) -> (0, 0)>
#map1 = affine_map<(d0, d1) -> (0, 0, 0)>
#map2 = affine_map<(d0, d1) -> (0)>
module attributes {stable_mosaic.version = 14 : i64} {
  func.func @k(%arg0: i32, %arg1: i32, %arg2: memref<10000x128xf32, #tpu.memory_space<hbm>>, %arg3: memref<32x125x80xi32, #tpu.memory_space<hbm>>, %arg4: memref<320000xi32, #tpu.memory_space<hbm>>, %arg5: memref<2x10240x128xf32, #tpu.memory_space<hbm>>, %arg6: memref<10240x128xf32, #tpu.memory_space<vmem_shared>>, %arg7: memref<10000xi32, #tpu.memory_space<vmem>>, %arg8: memref<125x80xi32, #tpu.memory_space<vmem>>, %arg9: memref<80x128xf32, #tpu.memory_space<vmem>>, %arg10: memref<80x128xf32, #tpu.memory_space<vmem>>, %arg11: memref<!tpu.dma_semaphore, #tpu.memory_space<semaphore_mem>>, %arg12: memref<!tpu.dma_semaphore, #tpu.memory_space<semaphore_mem>>, %arg13: memref<!tpu.dma_semaphore, #tpu.memory_space<semaphore_mem>>, %arg14: memref<!tpu.dma_semaphore, #tpu.memory_space<semaphore_mem>>) attributes {dimension_semantics = [#tpu.dimension_semantics<core_parallel>, #tpu.dimension_semantics<subcore_parallel>], iteration_bounds = array<i64: 2, 16>, scalar_prefetch = 0 : i64, scratch_operands = 9 : i64, tpu.core_type = #tpu.core_type<sc_vector_subcore>, window_params = [{transform_indices = #map}, {transform_indices = #map1}, {transform_indices = #map2}, {transform_indices = #map1}]} {
    %mul3A = arith.constant 16 : i32
    %mul3A_0 = arith.muli %arg0, %mul3A : i32
    %add3A = arith.addi %mul3A_0, %arg1 : i32
    %mul3A_1 = arith.constant 10000 : i32
    %mul3A_2 = arith.muli %add3A, %mul3A_1 : i32
    "tpu.region"() ({
      %run_scoped3A = tpu.sem_alloc : memref<!tpu.dma_semaphore, #tpu.memory_space<semaphore_mem>>
      %dma_start3A_53 = tpu.memref_slice %arg4[%mul3A_2] : memref<320000xi32, #tpu.memory_space<hbm>> -> memref<10000xi32, #tpu.memory_space<hbm>>
      %dma_start3A_54 = tpu.memref_slice %arg4[%mul3A_2] : memref<320000xi32, #tpu.memory_space<hbm>> -> memref<10000xi32, #tpu.memory_space<hbm>>
      tpu.enqueue_dma source(%dma_start3A_54 : memref<10000xi32, #tpu.memory_space<hbm>>) target(%arg7 : memref<10000xi32, #tpu.memory_space<vmem>>) target_semaphore(%run_scoped3A : memref<!tpu.dma_semaphore, #tpu.memory_space<semaphore_mem>>)
      %dma_wait3A_55 = tpu.memref_slice %arg4[%mul3A_2] : memref<320000xi32, #tpu.memory_space<hbm>> -> memref<10000xi32, #tpu.memory_space<hbm>>
      %dma_wait3A_56 = tpu.memref_slice %arg4[%mul3A_2] : memref<320000xi32, #tpu.memory_space<hbm>> -> memref<10000xi32, #tpu.memory_space<hbm>>
      tpu.wait_dma2 semaphore(%run_scoped3A : memref<!tpu.dma_semaphore, #tpu.memory_space<semaphore_mem>>) src(%dma_wait3A_56 : memref<10000xi32, #tpu.memory_space<hbm>>) dst(%arg7 : memref<10000xi32, #tpu.memory_space<vmem>>)
      tpu.yield
    }) : () -> ()
    "tpu.region"() ({
      %run_scoped3A = tpu.sem_alloc : memref<!tpu.dma_semaphore, #tpu.memory_space<semaphore_mem>>
      %dma_start3A_53 = arith.constant 0 : i32
      %dma_start3A_54 = arith.constant 0 : i32
      %dma_start3A_55 = tpu.memref_slice %arg3[%add3A, %dma_start3A_53, %dma_start3A_54] : memref<32x125x80xi32, #tpu.memory_space<hbm>> -> memref<1x125x80xi32, #tpu.memory_space<hbm>>
      %dma_start3A_56 = tpu.memref_squeeze %dma_start3A_55 : memref<1x125x80xi32, #tpu.memory_space<hbm>> -> memref<125x80xi32, #tpu.memory_space<hbm>>
      %dma_start3A_57 = arith.constant 0 : i32
      %dma_start3A_58 = arith.constant 0 : i32
      %dma_start3A_59 = tpu.memref_slice %arg3[%add3A, %dma_start3A_57, %dma_start3A_58] : memref<32x125x80xi32, #tpu.memory_space<hbm>> -> memref<1x125x80xi32, #tpu.memory_space<hbm>>
      %dma_start3A_60 = tpu.memref_squeeze %dma_start3A_59 : memref<1x125x80xi32, #tpu.memory_space<hbm>> -> memref<125x80xi32, #tpu.memory_space<hbm>>
      tpu.enqueue_dma source(%dma_start3A_60 : memref<125x80xi32, #tpu.memory_space<hbm>>) target(%arg8 : memref<125x80xi32, #tpu.memory_space<vmem>>) target_semaphore(%run_scoped3A : memref<!tpu.dma_semaphore, #tpu.memory_space<semaphore_mem>>)
      %dma_wait3A_61 = arith.constant 0 : i32
      %dma_wait3A_62 = arith.constant 0 : i32
      %dma_wait3A_63 = tpu.memref_slice %arg3[%add3A, %dma_wait3A_61, %dma_wait3A_62] : memref<32x125x80xi32, #tpu.memory_space<hbm>> -> memref<1x125x80xi32, #tpu.memory_space<hbm>>
      %dma_wait3A_64 = tpu.memref_squeeze %dma_wait3A_63 : memref<1x125x80xi32, #tpu.memory_space<hbm>> -> memref<125x80xi32, #tpu.memory_space<hbm>>
      %dma_wait3A_65 = arith.constant 0 : i32
      %dma_wait3A_66 = arith.constant 0 : i32
      %dma_wait3A_67 = tpu.memref_slice %arg3[%add3A, %dma_wait3A_65, %dma_wait3A_66] : memref<32x125x80xi32, #tpu.memory_space<hbm>> -> memref<1x125x80xi32, #tpu.memory_space<hbm>>
      %dma_wait3A_68 = tpu.memref_squeeze %dma_wait3A_67 : memref<1x125x80xi32, #tpu.memory_space<hbm>> -> memref<125x80xi32, #tpu.memory_space<hbm>>
      tpu.wait_dma2 semaphore(%run_scoped3A : memref<!tpu.dma_semaphore, #tpu.memory_space<semaphore_mem>>) src(%dma_wait3A_68 : memref<125x80xi32, #tpu.memory_space<hbm>>) dst(%arg8 : memref<125x80xi32, #tpu.memory_space<vmem>>)
      tpu.yield
    }) : () -> ()
    %broadcast_in_dim3A = arith.constant 0.000000e+00 : f32
    %broadcast_in_dim3A_3 = vector.broadcast %broadcast_in_dim3A : f32 to vector<16xf32>
    %scan3A = arith.constant 0 : i32
    %scan3A_4 = arith.constant 80 : i32
    %scan3A_5 = arith.addi %scan3A, %scan3A_4 : i32
    %scan3A_6 = arith.constant 1 : i32
    scf.for %scan3A_53 = %scan3A to %scan3A_5 step %scan3A_6  : i32 {
      %mul3A_54 = arith.constant 1 : i32
      %mul3A_55 = arith.muli %scan3A_53, %mul3A_54 : i32
      %add3A_56 = arith.constant 0 : i32
      %add3A_57 = arith.addi %add3A_56, %mul3A_55 : i32
      %scan3A_58 = arith.constant 0 : i32
      %scan3A_59 = arith.constant 8 : i32
      %scan3A_60 = arith.addi %scan3A_58, %scan3A_59 : i32
      %scan3A_61 = arith.constant 1 : i32
      scf.for %scan3A_63 = %scan3A_58 to %scan3A_60 step %scan3A_61  : i32 {
        %mul3A_64 = arith.constant 16 : i32
        %mul3A_65 = arith.muli %scan3A_63, %mul3A_64 : i32
        %add3A_66 = arith.constant 0 : i32
        %add3A_67 = arith.addi %add3A_66, %mul3A_65 : i32
        %swap3A = arith.index_cast %add3A_57 : i32 to index
        %swap3A_68 = arith.index_cast %add3A_67 : i32 to index
        %swap3A_69 = tpu.vector_load %arg9[%swap3A, %swap3A_68] {strides = array<i32>} : memref<80x128xf32, #tpu.memory_space<vmem>>, vector<1x16xf32>,
        %swap3A_70 = vector.shape_cast %swap3A_69 : vector<1x16xf32> to vector<16xf32>
        %swap3A_71 = vector.shape_cast %broadcast_in_dim3A_3 : vector<16xf32> to vector<1x16xf32>
        tpu.vector_store %arg9[%swap3A, %swap3A_68], %swap3A_71 {strides = array<i32>} : memref<80x128xf32, #tpu.memory_space<vmem>>, vector<1x16xf32>,
      }
      %scan3A_62 = arith.constant 8 : i32
    }
    %scan3A_7 = arith.constant 80 : i32
    %scan3A_8 = arith.constant 0 : i32
    %scan3A_9 = arith.constant 8 : i32
    %scan3A_10 = arith.addi %scan3A_8, %scan3A_9 : i32
    %scan3A_11 = arith.constant 1 : i32
    scf.for %scan3A_53 = %scan3A_8 to %scan3A_10 step %scan3A_11  : i32 {
      %mul3A_54 = arith.constant 80 : i32
      %mul3A_55 = arith.muli %scan3A_53, %mul3A_54 : i32
      %add3A_56 = arith.constant 0 : i32
      %add3A_57 = arith.addi %add3A_56, %mul3A_55 : i32
      %mul3A_58 = arith.constant 640 : i32
      %mul3A_59 = arith.muli %arg1, %mul3A_58 : i32
      %add3A_60 = arith.addi %mul3A_59, %add3A_57 : i32
      %eq3A = arith.constant 0 : i32
      %eq3A_61 = arith.cmpi eq, %arg0, %eq3A : i32
      %lt3A = arith.constant 10000 : i32
      %lt3A_62 = arith.cmpi slt, %add3A_60, %lt3A : i32
      %and3A = arith.andi %eq3A_61, %lt3A_62 : i1
      %convert_element_type3A = arith.extui %and3A : i1 to i32
      %cond3A = arith.constant 0 : i32
      %cond3A_63 = arith.cmpi ne, %convert_element_type3A, %cond3A : i32
      scf.if %cond3A_63 {
        "tpu.region"() ({
          %run_scoped3A = tpu.sem_alloc : memref<!tpu.dma_semaphore, #tpu.memory_space<semaphore_mem>>
          %dma_start3A_68 = arith.constant 0 : i32
          %dma_start3A_69 = tpu.memref_slice %arg6[%add3A_60, %dma_start3A_68] : memref<10240x128xf32, #tpu.memory_space<vmem_shared>> -> memref<80x128xf32, #tpu.memory_space<vmem_shared>>
          %dma_start3A_70 = arith.constant 0 : i32
          %dma_start3A_71 = tpu.memref_slice %arg2[%add3A_60, %dma_start3A_70] : memref<10000x128xf32, #tpu.memory_space<hbm>> -> memref<80x128xf32, #tpu.memory_space<hbm>>
          tpu.enqueue_dma source(%dma_start3A_71 : memref<80x128xf32, #tpu.memory_space<hbm>>) target(%dma_start3A_69 : memref<80x128xf32, #tpu.memory_space<vmem_shared>>) target_semaphore(%run_scoped3A : memref<!tpu.dma_semaphore, #tpu.memory_space<semaphore_mem>>)
          %dma_wait3A_72 = arith.constant 0 : i32
          %dma_wait3A_73 = tpu.memref_slice %arg6[%add3A_60, %dma_wait3A_72] : memref<10240x128xf32, #tpu.memory_space<vmem_shared>> -> memref<80x128xf32, #tpu.memory_space<vmem_shared>>
          %dma_wait3A_74 = arith.constant 0 : i32
          %dma_wait3A_75 = tpu.memref_slice %arg2[%add3A_60, %dma_wait3A_74] : memref<10000x128xf32, #tpu.memory_space<hbm>> -> memref<80x128xf32, #tpu.memory_space<hbm>>
          tpu.wait_dma2 semaphore(%run_scoped3A : memref<!tpu.dma_semaphore, #tpu.memory_space<semaphore_mem>>) src(%dma_wait3A_75 : memref<80x128xf32, #tpu.memory_space<hbm>>) dst(%dma_wait3A_73 : memref<80x128xf32, #tpu.memory_space<vmem_shared>>)
          tpu.yield
        }) : () -> ()
      } else {
      }
      %not3A = arith.constant true
      %not3A_64 = arith.xori %and3A, %not3A : i1
      %convert_element_type3A_65 = arith.extui %not3A_64 : i1 to i32
      %cond3A_66 = arith.constant 0 : i32
      %cond3A_67 = arith.cmpi ne, %convert_element_type3A_65, %cond3A_66 : i32
      scf.if %cond3A_67 {
        "tpu.region"() ({
          %run_scoped3A = tpu.sem_alloc : memref<!tpu.dma_semaphore, #tpu.memory_space<semaphore_mem>>
          %dma_start3A_68 = arith.constant 0 : i32
          %dma_start3A_69 = tpu.memref_slice %arg6[%add3A_60, %dma_start3A_68] : memref<10240x128xf32, #tpu.memory_space<vmem_shared>> -> memref<80x128xf32, #tpu.memory_space<vmem_shared>>
          %dma_start3A_70 = arith.constant 0 : i32
          %dma_start3A_71 = tpu.memref_slice %arg6[%add3A_60, %dma_start3A_70] : memref<10240x128xf32, #tpu.memory_space<vmem_shared>> -> memref<80x128xf32, #tpu.memory_space<vmem_shared>>
          tpu.enqueue_dma source(%arg9 : memref<80x128xf32, #tpu.memory_space<vmem>>) target(%dma_start3A_71 : memref<80x128xf32, #tpu.memory_space<vmem_shared>>) target_semaphore(%run_scoped3A : memref<!tpu.dma_semaphore, #tpu.memory_space<semaphore_mem>>)
          %dma_wait3A_72 = arith.constant 0 : i32
          %dma_wait3A_73 = tpu.memref_slice %arg6[%add3A_60, %dma_wait3A_72] : memref<10240x128xf32, #tpu.memory_space<vmem_shared>> -> memref<80x128xf32, #tpu.memory_space<vmem_shared>>
          %dma_wait3A_74 = arith.constant 0 : i32
          %dma_wait3A_75 = tpu.memref_slice %arg6[%add3A_60, %dma_wait3A_74] : memref<10240x128xf32, #tpu.memory_space<vmem_shared>> -> memref<80x128xf32, #tpu.memory_space<vmem_shared>>
          tpu.wait_dma2 semaphore(%run_scoped3A : memref<!tpu.dma_semaphore, #tpu.memory_space<semaphore_mem>>) src(%arg9 : memref<80x128xf32, #tpu.memory_space<vmem>>) dst(%dma_wait3A_75 : memref<80x128xf32, #tpu.memory_space<vmem_shared>>)
          tpu.yield
        }) : () -> ()
      } else {
      }
    }
    %scan3A_12 = arith.constant 8 : i32
    %barrier3A = arith.constant 0 : index
    tpu.barrier barrier_id(%barrier3A)
    %dma_start3A = arith.constant 0 : i32
    %dma_start3A_13 = tpu.memref_slice %arg7[%dma_start3A] : memref<10000xi32, #tpu.memory_space<vmem>> -> memref<80xi32, #tpu.memory_space<vmem>>
    %dma_start3A_14 = arith.constant 0 : i32
    %dma_start3A_15 = arith.constant 0 : i32
    %dma_start3A_16 = tpu.memref_slice %arg2[%dma_start3A_14, %dma_start3A_15] : memref<10000x128xf32, #tpu.memory_space<hbm>> -> memref<10000x128xf32, #tpu.memory_space<hbm>>
    tpu.enqueue_indirect_dma source(%dma_start3A_16 : memref<10000x128xf32, #tpu.memory_space<hbm>>) target(%arg9 : memref<80x128xf32, #tpu.memory_space<vmem>>) offsets(%dma_start3A_13 : memref<80xi32, #tpu.memory_space<vmem>>) semaphore(%arg11 : memref<!tpu.dma_semaphore, #tpu.memory_space<semaphore_mem>>)
    %dma_start3A_17 = arith.constant 80 : i32
    %dma_start3A_18 = tpu.memref_slice %arg7[%dma_start3A_17] : memref<10000xi32, #tpu.memory_space<vmem>> -> memref<80xi32, #tpu.memory_space<vmem>>
    %dma_start3A_19 = arith.constant 0 : i32
    %dma_start3A_20 = arith.constant 0 : i32
    %dma_start3A_21 = tpu.memref_slice %arg2[%dma_start3A_19, %dma_start3A_20] : memref<10000x128xf32, #tpu.memory_space<hbm>> -> memref<10000x128xf32, #tpu.memory_space<hbm>>
    tpu.enqueue_indirect_dma source(%dma_start3A_21 : memref<10000x128xf32, #tpu.memory_space<hbm>>) target(%arg10 : memref<80x128xf32, #tpu.memory_space<vmem>>) offsets(%dma_start3A_18 : memref<80xi32, #tpu.memory_space<vmem>>) semaphore(%arg12 : memref<!tpu.dma_semaphore, #tpu.memory_space<semaphore_mem>>)
    %dma_wait3A = arith.constant 0 : i32
    %dma_wait3A_22 = tpu.memref_slice %arg7[%dma_wait3A] : memref<10000xi32, #tpu.memory_space<vmem>> -> memref<80xi32, #tpu.memory_space<vmem>>
    %dma_wait3A_23 = arith.constant 0 : i32
    %dma_wait3A_24 = arith.constant 0 : i32
    %dma_wait3A_25 = tpu.memref_slice %arg2[%dma_wait3A_23, %dma_wait3A_24] : memref<10000x128xf32, #tpu.memory_space<hbm>> -> memref<10000x128xf32, #tpu.memory_space<hbm>>
    tpu.wait_indirect_dma semaphore(%arg11 : memref<!tpu.dma_semaphore, #tpu.memory_space<semaphore_mem>>) src(%dma_wait3A_25 : memref<10000x128xf32, #tpu.memory_space<hbm>>) dst(%arg9 : memref<80x128xf32, #tpu.memory_space<vmem>>)
    %dma_start3A_26 = arith.constant 0 : i32
    %dma_start3A_27 = arith.constant 0 : i32
    %dma_start3A_28 = tpu.memref_slice %arg8[%dma_start3A_26, %dma_start3A_27] : memref<125x80xi32, #tpu.memory_space<vmem>> -> memref<1x80xi32, #tpu.memory_space<vmem>>
    %dma_start3A_29 = tpu.memref_squeeze %dma_start3A_28 : memref<1x80xi32, #tpu.memory_space<vmem>> -> memref<80xi32, #tpu.memory_space<vmem>>
    %dma_start3A_30 = arith.constant 0 : i32
    %dma_start3A_31 = arith.constant 0 : i32
    %dma_start3A_32 = tpu.memref_slice %arg6[%dma_start3A_30, %dma_start3A_31] : memref<10240x128xf32, #tpu.memory_space<vmem_shared>> -> memref<10240x128xf32, #tpu.memory_space<vmem_shared>>
    tpu.enqueue_indirect_dma source(%arg9 : memref<80x128xf32, #tpu.memory_space<vmem>>) target(%dma_start3A_32 : memref<10240x128xf32, #tpu.memory_space<vmem_shared>>) offsets(%dma_start3A_29 : memref<80xi32, #tpu.memory_space<vmem>>) semaphore(%arg13 : memref<!tpu.dma_semaphore, #tpu.memory_space<semaphore_mem>>) {add = true}
    %scan3A_33 = arith.constant 0 : i32
    %scan3A_34 = arith.constant 62 : i32
    %scan3A_35 = arith.addi %scan3A_33, %scan3A_34 : i32
    %scan3A_36 = arith.constant 1 : i32
    scf.for %scan3A_53 = %scan3A_33 to %scan3A_35 step %scan3A_36  : i32 {
      %mul3A_54 = arith.constant 2 : i32
      %mul3A_55 = arith.muli %scan3A_53, %mul3A_54 : i32
      %add3A_56 = arith.constant 1 : i32
      %add3A_57 = arith.addi %add3A_56, %mul3A_55 : i32
      %dma_wait3A_58 = arith.constant 0 : i32
      %dma_wait3A_59 = arith.constant 0 : i32
      %dma_wait3A_60 = tpu.memref_slice %arg8[%dma_wait3A_58, %dma_wait3A_59] : memref<125x80xi32, #tpu.memory_space<vmem>> -> memref<1x80xi32, #tpu.memory_space<vmem>>
      %dma_wait3A_61 = tpu.memref_squeeze %dma_wait3A_60 : memref<1x80xi32, #tpu.memory_space<vmem>> -> memref<80xi32, #tpu.memory_space<vmem>>
      %dma_wait3A_62 = arith.constant 0 : i32
      %dma_wait3A_63 = arith.constant 0 : i32
      %dma_wait3A_64 = tpu.memref_slice %arg6[%dma_wait3A_62, %dma_wait3A_63] : memref<10240x128xf32, #tpu.memory_space<vmem_shared>> -> memref<10240x128xf32, #tpu.memory_space<vmem_shared>>
      tpu.wait_indirect_dma semaphore(%arg13 : memref<!tpu.dma_semaphore, #tpu.memory_space<semaphore_mem>>) src(%arg9 : memref<80x128xf32, #tpu.memory_space<vmem>>) dst(%dma_wait3A_64 : memref<10240x128xf32, #tpu.memory_space<vmem_shared>>)
      %add3A_65 = arith.constant 1 : i32
      %add3A_66 = arith.addi %add3A_57, %add3A_65 : i32
      %min3A = arith.constant 124 : i32
      %min3A_67 = arith.minsi %add3A_66, %min3A : i32
      %mul3A_68 = arith.constant 80 : i32
      %mul3A_69 = arith.muli %min3A_67, %mul3A_68 : i32
      %dma_start3A_70 = tpu.memref_slice %arg7[%mul3A_69] : memref<10000xi32, #tpu.memory_space<vmem>> -> memref<80xi32, #tpu.memory_space<vmem>>
      %dma_start3A_71 = arith.constant 0 : i32
      %dma_start3A_72 = arith.constant 0 : i32
      %dma_start3A_73 = tpu.memref_slice %arg2[%dma_start3A_71, %dma_start3A_72] : memref<10000x128xf32, #tpu.memory_space<hbm>> -> memref<10000x128xf32, #tpu.memory_space<hbm>>
      tpu.enqueue_indirect_dma source(%dma_start3A_73 : memref<10000x128xf32, #tpu.memory_space<hbm>>) target(%arg9 : memref<80x128xf32, #tpu.memory_space<vmem>>) offsets(%dma_start3A_70 : memref<80xi32, #tpu.memory_space<vmem>>) semaphore(%arg11 : memref<!tpu.dma_semaphore, #tpu.memory_space<semaphore_mem>>)
      %dma_wait3A_74 = arith.constant 0 : i32
      %dma_wait3A_75 = tpu.memref_slice %arg7[%dma_wait3A_74] : memref<10000xi32, #tpu.memory_space<vmem>> -> memref<80xi32, #tpu.memory_space<vmem>>
      %dma_wait3A_76 = arith.constant 0 : i32
      %dma_wait3A_77 = arith.constant 0 : i32
      %dma_wait3A_78 = tpu.memref_slice %arg2[%dma_wait3A_76, %dma_wait3A_77] : memref<10000x128xf32, #tpu.memory_space<hbm>> -> memref<10000x128xf32, #tpu.memory_space<hbm>>
      tpu.wait_indirect_dma semaphore(%arg12 : memref<!tpu.dma_semaphore, #tpu.memory_space<semaphore_mem>>) src(%dma_wait3A_78 : memref<10000x128xf32, #tpu.memory_space<hbm>>) dst(%arg10 : memref<80x128xf32, #tpu.memory_space<vmem>>)
      %dma_start3A_79 = arith.constant 0 : i32
      %dma_start3A_80 = tpu.memref_slice %arg8[%add3A_57, %dma_start3A_79] : memref<125x80xi32, #tpu.memory_space<vmem>> -> memref<1x80xi32, #tpu.memory_space<vmem>>
      %dma_start3A_81 = tpu.memref_squeeze %dma_start3A_80 : memref<1x80xi32, #tpu.memory_space<vmem>> -> memref<80xi32, #tpu.memory_space<vmem>>
      %dma_start3A_82 = arith.constant 0 : i32
      %dma_start3A_83 = arith.constant 0 : i32
      %dma_start3A_84 = tpu.memref_slice %arg6[%dma_start3A_82, %dma_start3A_83] : memref<10240x128xf32, #tpu.memory_space<vmem_shared>> -> memref<10240x128xf32, #tpu.memory_space<vmem_shared>>
      tpu.enqueue_indirect_dma source(%arg10 : memref<80x128xf32, #tpu.memory_space<vmem>>) target(%dma_start3A_84 : memref<10240x128xf32, #tpu.memory_space<vmem_shared>>) offsets(%dma_start3A_81 : memref<80xi32, #tpu.memory_space<vmem>>) semaphore(%arg14 : memref<!tpu.dma_semaphore, #tpu.memory_space<semaphore_mem>>) {add = true}
      %dma_wait3A_85 = arith.constant 0 : i32
      %dma_wait3A_86 = arith.constant 0 : i32
      %dma_wait3A_87 = tpu.memref_slice %arg8[%dma_wait3A_85, %dma_wait3A_86] : memref<125x80xi32, #tpu.memory_space<vmem>> -> memref<1x80xi32, #tpu.memory_space<vmem>>
      %dma_wait3A_88 = tpu.memref_squeeze %dma_wait3A_87 : memref<1x80xi32, #tpu.memory_space<vmem>> -> memref<80xi32, #tpu.memory_space<vmem>>
      %dma_wait3A_89 = arith.constant 0 : i32
      %dma_wait3A_90 = arith.constant 0 : i32
      %dma_wait3A_91 = tpu.memref_slice %arg6[%dma_wait3A_89, %dma_wait3A_90] : memref<10240x128xf32, #tpu.memory_space<vmem_shared>> -> memref<10240x128xf32, #tpu.memory_space<vmem_shared>>
      tpu.wait_indirect_dma semaphore(%arg14 : memref<!tpu.dma_semaphore, #tpu.memory_space<semaphore_mem>>) src(%arg10 : memref<80x128xf32, #tpu.memory_space<vmem>>) dst(%dma_wait3A_91 : memref<10240x128xf32, #tpu.memory_space<vmem_shared>>)
      %add3A_92 = arith.constant 2 : i32
      %add3A_93 = arith.addi %add3A_57, %add3A_92 : i32
      %min3A_94 = arith.constant 124 : i32
      %min3A_95 = arith.minsi %add3A_93, %min3A_94 : i32
      %mul3A_96 = arith.constant 80 : i32
      %mul3A_97 = arith.muli %min3A_95, %mul3A_96 : i32
      %dma_start3A_98 = tpu.memref_slice %arg7[%mul3A_97] : memref<10000xi32, #tpu.memory_space<vmem>> -> memref<80xi32, #tpu.memory_space<vmem>>
      %dma_start3A_99 = arith.constant 0 : i32
      %dma_start3A_100 = arith.constant 0 : i32
      %dma_start3A_101 = tpu.memref_slice %arg2[%dma_start3A_99, %dma_start3A_100] : memref<10000x128xf32, #tpu.memory_space<hbm>> -> memref<10000x128xf32, #tpu.memory_space<hbm>>
      tpu.enqueue_indirect_dma source(%dma_start3A_101 : memref<10000x128xf32, #tpu.memory_space<hbm>>) target(%arg10 : memref<80x128xf32, #tpu.memory_space<vmem>>) offsets(%dma_start3A_98 : memref<80xi32, #tpu.memory_space<vmem>>) semaphore(%arg12 : memref<!tpu.dma_semaphore, #tpu.memory_space<semaphore_mem>>)
      %dma_wait3A_102 = arith.constant 0 : i32
      %dma_wait3A_103 = tpu.memref_slice %arg7[%dma_wait3A_102] : memref<10000xi32, #tpu.memory_space<vmem>> -> memref<80xi32, #tpu.memory_space<vmem>>
      %dma_wait3A_104 = arith.constant 0 : i32
      %dma_wait3A_105 = arith.constant 0 : i32
      %dma_wait3A_106 = tpu.memref_slice %arg2[%dma_wait3A_104, %dma_wait3A_105] : memref<10000x128xf32, #tpu.memory_space<hbm>> -> memref<10000x128xf32, #tpu.memory_space<hbm>>
      tpu.wait_indirect_dma semaphore(%arg11 : memref<!tpu.dma_semaphore, #tpu.memory_space<semaphore_mem>>) src(%dma_wait3A_106 : memref<10000x128xf32, #tpu.memory_space<hbm>>) dst(%arg9 : memref<80x128xf32, #tpu.memory_space<vmem>>)
      %add3A_107 = arith.constant 1 : i32
      %add3A_108 = arith.addi %add3A_57, %add3A_107 : i32
      %dma_start3A_109 = arith.constant 0 : i32
      %dma_start3A_110 = tpu.memref_slice %arg8[%add3A_108, %dma_start3A_109] : memref<125x80xi32, #tpu.memory_space<vmem>> -> memref<1x80xi32, #tpu.memory_space<vmem>>
      %dma_start3A_111 = tpu.memref_squeeze %dma_start3A_110 : memref<1x80xi32, #tpu.memory_space<vmem>> -> memref<80xi32, #tpu.memory_space<vmem>>
      %dma_start3A_112 = arith.constant 0 : i32
      %dma_start3A_113 = arith.constant 0 : i32
      %dma_start3A_114 = tpu.memref_slice %arg6[%dma_start3A_112, %dma_start3A_113] : memref<10240x128xf32, #tpu.memory_space<vmem_shared>> -> memref<10240x128xf32, #tpu.memory_space<vmem_shared>>
      tpu.enqueue_indirect_dma source(%arg9 : memref<80x128xf32, #tpu.memory_space<vmem>>) target(%dma_start3A_114 : memref<10240x128xf32, #tpu.memory_space<vmem_shared>>) offsets(%dma_start3A_111 : memref<80xi32, #tpu.memory_space<vmem>>) semaphore(%arg13 : memref<!tpu.dma_semaphore, #tpu.memory_space<semaphore_mem>>) {add = true}
    }
    %scan3A_37 = arith.constant 62 : i32
    %dma_wait3A_38 = arith.constant 0 : i32
    %dma_wait3A_39 = arith.constant 0 : i32
    %dma_wait3A_40 = tpu.memref_slice %arg8[%dma_wait3A_38, %dma_wait3A_39] : memref<125x80xi32, #tpu.memory_space<vmem>> -> memref<1x80xi32, #tpu.memory_space<vmem>>
    %dma_wait3A_41 = tpu.memref_squeeze %dma_wait3A_40 : memref<1x80xi32, #tpu.memory_space<vmem>> -> memref<80xi32, #tpu.memory_space<vmem>>
    %dma_wait3A_42 = arith.constant 0 : i32
    %dma_wait3A_43 = arith.constant 0 : i32
    %dma_wait3A_44 = tpu.memref_slice %arg6[%dma_wait3A_42, %dma_wait3A_43] : memref<10240x128xf32, #tpu.memory_space<vmem_shared>> -> memref<10240x128xf32, #tpu.memory_space<vmem_shared>>
    tpu.wait_indirect_dma semaphore(%arg13 : memref<!tpu.dma_semaphore, #tpu.memory_space<semaphore_mem>>) src(%arg9 : memref<80x128xf32, #tpu.memory_space<vmem>>) dst(%dma_wait3A_44 : memref<10240x128xf32, #tpu.memory_space<vmem_shared>>)
    %dma_wait3A_45 = arith.constant 0 : i32
    %dma_wait3A_46 = tpu.memref_slice %arg7[%dma_wait3A_45] : memref<10000xi32, #tpu.memory_space<vmem>> -> memref<80xi32, #tpu.memory_space<vmem>>
    %dma_wait3A_47 = arith.constant 0 : i32
    %dma_wait3A_48 = arith.constant 0 : i32
    %dma_wait3A_49 = tpu.memref_slice %arg2[%dma_wait3A_47, %dma_wait3A_48] : memref<10000x128xf32, #tpu.memory_space<hbm>> -> memref<10000x128xf32, #tpu.memory_space<hbm>>
    tpu.wait_indirect_dma semaphore(%arg12 : memref<!tpu.dma_semaphore, #tpu.memory_space<semaphore_mem>>) src(%dma_wait3A_49 : memref<10000x128xf32, #tpu.memory_space<hbm>>) dst(%arg10 : memref<80x128xf32, #tpu.memory_space<vmem>>)
    %barrier3A_50 = arith.constant 0 : index
    tpu.barrier barrier_id(%barrier3A_50)
    %mul3A_51 = arith.constant 640 : i32
    %mul3A_52 = arith.muli %arg1, %mul3A_51 : i32
    "tpu.region"() ({
      %run_scoped3A = tpu.sem_alloc : memref<!tpu.dma_semaphore, #tpu.memory_space<semaphore_mem>>
      %dma_start3A_53 = arith.constant 0 : i32
      %dma_start3A_54 = arith.constant 0 : i32
      %dma_start3A_55 = tpu.memref_slice %arg5[%arg0, %dma_start3A_53, %dma_start3A_54] : memref<2x10240x128xf32, #tpu.memory_space<hbm>> -> memref<1x10240x128xf32, #tpu.memory_space<hbm>>
      %dma_start3A_56 = tpu.memref_squeeze %dma_start3A_55 : memref<1x10240x128xf32, #tpu.memory_space<hbm>> -> memref<10240x128xf32, #tpu.memory_space<hbm>>
      %dma_start3A_57 = arith.constant 0 : i32
      %dma_start3A_58 = tpu.memref_slice %dma_start3A_56[%mul3A_52, %dma_start3A_57] : memref<10240x128xf32, #tpu.memory_space<hbm>> -> memref<640x128xf32, #tpu.memory_space<hbm>>
      %dma_start3A_59 = arith.constant 0 : i32
      %dma_start3A_60 = tpu.memref_slice %arg6[%mul3A_52, %dma_start3A_59] : memref<10240x128xf32, #tpu.memory_space<vmem_shared>> -> memref<640x128xf32, #tpu.memory_space<vmem_shared>>
      tpu.enqueue_dma source(%dma_start3A_60 : memref<640x128xf32, #tpu.memory_space<vmem_shared>>) target(%dma_start3A_58 : memref<640x128xf32, #tpu.memory_space<hbm>>) target_semaphore(%run_scoped3A : memref<!tpu.dma_semaphore, #tpu.memory_space<semaphore_mem>>)
      %dma_wait3A_61 = arith.constant 0 : i32
      %dma_wait3A_62 = arith.constant 0 : i32
      %dma_wait3A_63 = tpu.memref_slice %arg5[%arg0, %dma_wait3A_61, %dma_wait3A_62] : memref<2x10240x128xf32, #tpu.memory_space<hbm>> -> memref<1x10240x128xf32, #tpu.memory_space<hbm>>
      %dma_wait3A_64 = tpu.memref_squeeze %dma_wait3A_63 : memref<1x10240x128xf32, #tpu.memory_space<hbm>> -> memref<10240x128xf32, #tpu.memory_space<hbm>>
      %dma_wait3A_65 = arith.constant 0 : i32
      %dma_wait3A_66 = tpu.memref_slice %dma_wait3A_64[%mul3A_52, %dma_wait3A_65] : memref<10240x128xf32, #tpu.memory_space<hbm>> -> memref<640x128xf32, #tpu.memory_space<hbm>>
      %dma_wait3A_67 = arith.constant 0 : i32
      %dma_wait3A_68 = tpu.memref_slice %arg6[%mul3A_52, %dma_wait3A_67] : memref<10240x128xf32, #tpu.memory_space<vmem_shared>> -> memref<640x128xf32, #tpu.memory_space<vmem_shared>>
      tpu.wait_dma2 semaphore(%run_scoped3A : memref<!tpu.dma_semaphore, #tpu.memory_space<semaphore_mem>>) src(%dma_wait3A_68 : memref<640x128xf32, #tpu.memory_space<vmem_shared>>) dst(%dma_wait3A_66 : memref<640x128xf32, #tpu.memory_space<hbm>>)
      tpu.yield
    }) : () -> ()
    return
  }
}

module attributes {stable_mosaic.version = 14 : i64} {
  func.func @body(%arg0: i32, %arg1: memref<5000x128xf32, #tpu.memory_space<vmem>>, %arg2: memref<2x5000x1xf32, #tpu.memory_space<vmem>>, %arg3: memref<5000x128xf32, #tpu.memory_space<vmem>>, %arg4: memref<5000x1xf32, #tpu.memory_space<vmem>>, %arg5: memref<5000x1xf32, #tpu.memory_space<vmem>>) attributes {dimension_semantics = [#tpu.dimension_semantics<arbitrary>], iteration_bounds = array<i64: 2>, scalar_prefetch = 0 : i64, scratch_operands = 0 : i64, tpu.core_type = #tpu.core_type<tc>, window_params = [{transform_indices = @transform_0, window_bounds = array<i64: 5000, 128>}, {transform_indices = @transform_1, window_bounds = array<i64: 2, 5000, 1>}, {transform_indices = @transform_2, window_bounds = array<i64: 5000, 128>}, {transform_indices = @transform_3, window_bounds = array<i64: 5000, 1>}, {transform_indices = @transform_4, window_bounds = array<i64: 5000, 1>}]} {
    %get3A = arith.constant 0 : index
    %get3A_0 = arith.constant 0 : index
    %get3A_1 = arith.constant 0 : index
    %get3A_2 = vector.load %arg2[%get3A, %get3A_0, %get3A_1] : memref<2x5000x1xf32, #tpu.memory_space<vmem>>, vector<1x5000x1xf32>
    %get3A_3 = vector.shape_cast %get3A_2 : vector<1x5000x1xf32> to vector<5000x1xf32>
    %get3A_4 = arith.constant 1 : index
    %get3A_5 = arith.constant 0 : index
    %get3A_6 = arith.constant 0 : index
    %get3A_7 = vector.load %arg2[%get3A_4, %get3A_5, %get3A_6] : memref<2x5000x1xf32, #tpu.memory_space<vmem>>, vector<1x5000x1xf32>
    %get3A_8 = vector.shape_cast %get3A_7 : vector<1x5000x1xf32> to vector<5000x1xf32>
    %add3A = arith.addf %get3A_3, %get3A_8 : vector<5000x1xf32>
    %add3A_9 = arith.constant 1.000000e+00 : f32
    %add3A_10 = vector.broadcast %add3A_9 : f32 to vector<5000x1xf32>
    %add3A_11 = arith.addf %add3A, %add3A_10 : vector<5000x1xf32>
    %rsqrt3A = math.rsqrt %add3A_11 : vector<5000x1xf32>
    %swap3A = arith.constant 0 : index
    %swap3A_12 = arith.constant 0 : index
    %swap3A_13 = vector.load %arg4[%swap3A, %swap3A_12] : memref<5000x1xf32, #tpu.memory_space<vmem>>, vector<5000x1xf32>
    tpu.vector_store %arg4[%swap3A, %swap3A_12], %rsqrt3A {strides = array<i32>} : memref<5000x1xf32, #tpu.memory_space<vmem>>, vector<5000x1xf32>,
    %div3A = arith.constant 1.000000e+00 : f32
    %div3A_14 = vector.broadcast %div3A : f32 to vector<5000x1xf32>
    %div3A_15 = arith.divf %div3A_14, %add3A_11 : vector<5000x1xf32>
    %swap3A_16 = arith.constant 0 : index
    %swap3A_17 = arith.constant 0 : index
    %swap3A_18 = vector.load %arg5[%swap3A_16, %swap3A_17] : memref<5000x1xf32, #tpu.memory_space<vmem>>, vector<5000x1xf32>
    tpu.vector_store %arg5[%swap3A_16, %swap3A_17], %div3A_15 {strides = array<i32>} : memref<5000x1xf32, #tpu.memory_space<vmem>>, vector<5000x1xf32>,
    %get3A_19 = arith.constant 0 : index
    %get3A_20 = arith.constant 0 : index
    %get3A_21 = vector.load %arg1[%get3A_19, %get3A_20] : memref<5000x128xf32, #tpu.memory_space<vmem>>, vector<5000x128xf32>
    %mul3A = vector.broadcast %rsqrt3A : vector<5000x1xf32> to vector<5000x128xf32>
    %mul3A_22 = arith.mulf %get3A_21, %mul3A : vector<5000x128xf32>
    %swap3A_23 = arith.constant 0 : index
    %swap3A_24 = arith.constant 0 : index
    %swap3A_25 = vector.load %arg3[%swap3A_23, %swap3A_24] : memref<5000x128xf32, #tpu.memory_space<vmem>>, vector<5000x128xf32>
    tpu.vector_store %arg3[%swap3A_23, %swap3A_24], %mul3A_22 {strides = array<i32>} : memref<5000x128xf32, #tpu.memory_space<vmem>>, vector<5000x128xf32>,
    return
  }
  func.func @transform_0(%arg0: i32) -> (i32, i32) {
    %c0_i32 = arith.constant 0 : i32
    %c0_i32_0 = arith.constant 0 : i32
    return %arg0, %c0_i32 : i32, i32
  }
  func.func @transform_1(%arg0: i32) -> (i32, i32, i32) {
    %c0_i32 = arith.constant 0 : i32
    %c0_i32_0 = arith.constant 0 : i32
    %c0_i32_1 = arith.constant 0 : i32
    return %c0_i32, %arg0, %c0_i32_0 : i32, i32, i32
  }
  func.func @transform_2(%arg0: i32) -> (i32, i32) {
    %c0_i32 = arith.constant 0 : i32
    %c0_i32_0 = arith.constant 0 : i32
    return %arg0, %c0_i32 : i32, i32
  }
  func.func @transform_3(%arg0: i32) -> (i32, i32) {
    %c0_i32 = arith.constant 0 : i32
    %c0_i32_0 = arith.constant 0 : i32
    return %arg0, %c0_i32 : i32, i32
  }
  func.func @transform_4(%arg0: i32) -> (i32, i32) {
    %c0_i32 = arith.constant 0 : i32
    %c0_i32_0 = arith.constant 0 : i32
    return %arg0, %c0_i32 : i32, i32
  }
}

module attributes {stable_mosaic.version = 14 : i64} {
  func.func @body(%arg0: i32, %arg1: memref<2x5000x128xf32, #tpu.memory_space<vmem>>, %arg2: memref<5000x1xf32, #tpu.memory_space<vmem>>, %arg3: memref<5000x128xf32, #tpu.memory_space<vmem>>) attributes {dimension_semantics = [#tpu.dimension_semantics<arbitrary>], iteration_bounds = array<i64: 2>, scalar_prefetch = 0 : i64, scratch_operands = 0 : i64, tpu.core_type = #tpu.core_type<tc>, window_params = [{transform_indices = @transform_0, window_bounds = array<i64: 2, 5000, 128>}, {transform_indices = @transform_1, window_bounds = array<i64: 5000, 1>}, {transform_indices = @transform_2, window_bounds = array<i64: 5000, 128>}]} {
    %get3A = arith.constant 0 : index
    %get3A_0 = arith.constant 0 : index
    %get3A_1 = arith.constant 0 : index
    %get3A_2 = vector.load %arg1[%get3A, %get3A_0, %get3A_1] : memref<2x5000x128xf32, #tpu.memory_space<vmem>>, vector<1x5000x128xf32>
    %get3A_3 = vector.shape_cast %get3A_2 : vector<1x5000x128xf32> to vector<5000x128xf32>
    %get3A_4 = arith.constant 1 : index
    %get3A_5 = arith.constant 0 : index
    %get3A_6 = arith.constant 0 : index
    %get3A_7 = vector.load %arg1[%get3A_4, %get3A_5, %get3A_6] : memref<2x5000x128xf32, #tpu.memory_space<vmem>>, vector<1x5000x128xf32>
    %get3A_8 = vector.shape_cast %get3A_7 : vector<1x5000x128xf32> to vector<5000x128xf32>
    %add3A = arith.addf %get3A_3, %get3A_8 : vector<5000x128xf32>
    %get3A_9 = arith.constant 0 : index
    %get3A_10 = arith.constant 0 : index
    %get3A_11 = vector.load %arg2[%get3A_9, %get3A_10] : memref<5000x1xf32, #tpu.memory_space<vmem>>, vector<5000x1xf32>
    %mul3A = vector.broadcast %get3A_11 : vector<5000x1xf32> to vector<5000x128xf32>
    %mul3A_12 = arith.mulf %add3A, %mul3A : vector<5000x128xf32>
    %swap3A = arith.constant 0 : index
    %swap3A_13 = arith.constant 0 : index
    %swap3A_14 = vector.load %arg3[%swap3A, %swap3A_13] : memref<5000x128xf32, #tpu.memory_space<vmem>>, vector<5000x128xf32>
    tpu.vector_store %arg3[%swap3A, %swap3A_13], %mul3A_12 {strides = array<i32>} : memref<5000x128xf32, #tpu.memory_space<vmem>>, vector<5000x128xf32>,
    return
  }
  func.func @transform_0(%arg0: i32) -> (i32, i32, i32) {
    %c0_i32 = arith.constant 0 : i32
    %c0_i32_0 = arith.constant 0 : i32
    %c0_i32_1 = arith.constant 0 : i32
    return %c0_i32, %arg0, %c0_i32_0 : i32, i32, i32
  }
  func.func @transform_1(%arg0: i32) -> (i32, i32) {
    %c0_i32 = arith.constant 0 : i32
    %c0_i32_0 = arith.constant 0 : i32
    return %arg0, %c0_i32 : i32, i32
  }
  func.func @transform_2(%arg0: i32) -> (i32, i32) {
    %c0_i32 = arith.constant 0 : i32
    %c0_i32_0 = arith.constant 0 : i32
    return %arg0, %c0_i32 : i32, i32
  }
}

module attributes {stable_mosaic.version = 14 : i64} {
  func.func @body(%arg0: i32, %arg1: memref<2x5000x128xf32, #tpu.memory_space<vmem>>, %arg2: memref<5000x1xf32, #tpu.memory_space<vmem>>, %arg3: memref<128x128xf32, #tpu.memory_space<vmem>>, %arg4: memref<1x128xf32, #tpu.memory_space<vmem>>, %arg5: memref<5000x128xf32, #tpu.memory_space<vmem>>) attributes {dimension_semantics = [#tpu.dimension_semantics<arbitrary>], iteration_bounds = array<i64: 2>, scalar_prefetch = 0 : i64, scratch_operands = 0 : i64, tpu.core_type = #tpu.core_type<tc>, window_params = [{transform_indices = @transform_0, window_bounds = array<i64: 2, 5000, 128>}, {transform_indices = @transform_1, window_bounds = array<i64: 5000, 1>}, {pipeline_mode = #tpu.pipeline_mode<synchronous>, transform_indices = @transform_2, window_bounds = array<i64: 128, 128>}, {pipeline_mode = #tpu.pipeline_mode<synchronous>, transform_indices = @transform_3, window_bounds = array<i64: 1, 128>}, {transform_indices = @transform_4, window_bounds = array<i64: 5000, 128>}]} {
    %get3A = arith.constant 0 : index
    %get3A_0 = arith.constant 0 : index
    %get3A_1 = arith.constant 0 : index
    %get3A_2 = vector.load %arg1[%get3A, %get3A_0, %get3A_1] : memref<2x5000x128xf32, #tpu.memory_space<vmem>>, vector<1x5000x128xf32>
    %get3A_3 = vector.shape_cast %get3A_2 : vector<1x5000x128xf32> to vector<5000x128xf32>
    %get3A_4 = arith.constant 1 : index
    %get3A_5 = arith.constant 0 : index
    %get3A_6 = arith.constant 0 : index
    %get3A_7 = vector.load %arg1[%get3A_4, %get3A_5, %get3A_6] : memref<2x5000x128xf32, #tpu.memory_space<vmem>>, vector<1x5000x128xf32>
    %get3A_8 = vector.shape_cast %get3A_7 : vector<1x5000x128xf32> to vector<5000x128xf32>
    %add3A = arith.addf %get3A_3, %get3A_8 : vector<5000x128xf32>
    %get3A_9 = arith.constant 0 : index
    %get3A_10 = arith.constant 0 : index
    %get3A_11 = vector.load %arg2[%get3A_9, %get3A_10] : memref<5000x1xf32, #tpu.memory_space<vmem>>, vector<5000x1xf32>
    %mul3A = vector.broadcast %get3A_11 : vector<5000x1xf32> to vector<5000x128xf32>
    %mul3A_12 = arith.mulf %add3A, %mul3A : vector<5000x128xf32>
    %get3A_13 = arith.constant 0 : index
    %get3A_14 = arith.constant 0 : index
    %get3A_15 = vector.load %arg3[%get3A_13, %get3A_14] : memref<128x128xf32, #tpu.memory_space<vmem>>, vector<128x128xf32>
    %dot_general3A = arith.constant dense<0.000000e+00> : vector<5000x128xf32>
    %dot_general3A_16 = tpu.matmul %mul3A_12, %get3A_15, %dot_general3A {dimension_numbers = #tpu.dot_dimension_numbers<[1], [1], [0], [0], [0, 0, 1, 0], [], []>, transpose_lhs_hint = false} : vector<5000x128xf32>, vector<128x128xf32>, vector<5000x128xf32> -> vector<5000x128xf32>
    %get3A_17 = arith.constant 0 : index
    %get3A_18 = arith.constant 0 : index
    %get3A_19 = vector.load %arg4[%get3A_17, %get3A_18] : memref<1x128xf32, #tpu.memory_space<vmem>>, vector<1x128xf32>
    %add3A_20 = vector.broadcast %get3A_19 : vector<1x128xf32> to vector<5000x128xf32>
    %add3A_21 = arith.addf %dot_general3A_16, %add3A_20 : vector<5000x128xf32>
    %swap3A = arith.constant 0 : index
    %swap3A_22 = arith.constant 0 : index
    %swap3A_23 = vector.load %arg5[%swap3A, %swap3A_22] : memref<5000x128xf32, #tpu.memory_space<vmem>>, vector<5000x128xf32>
    tpu.vector_store %arg5[%swap3A, %swap3A_22], %add3A_21 {strides = array<i32>} : memref<5000x128xf32, #tpu.memory_space<vmem>>, vector<5000x128xf32>,
    return
  }
  func.func @transform_0(%arg0: i32) -> (i32, i32, i32) {
    %c0_i32 = arith.constant 0 : i32
    %c0_i32_0 = arith.constant 0 : i32
    %c0_i32_1 = arith.constant 0 : i32
    return %c0_i32, %arg0, %c0_i32_0 : i32, i32, i32
  }
  func.func @transform_1(%arg0: i32) -> (i32, i32) {
    %c0_i32 = arith.constant 0 : i32
    %c0_i32_0 = arith.constant 0 : i32
    return %arg0, %c0_i32 : i32, i32
  }
  func.func @transform_2(%arg0: i32) -> (i32, i32) {
    %c0_i32 = arith.constant 0 : i32
    %c0_i32_0 = arith.constant 0 : i32
    %c0_i32_1 = arith.constant 0 : i32
    return %c0_i32, %c0_i32_0 : i32, i32
  }
  func.func @transform_3(%arg0: i32) -> (i32, i32) {
    %c0_i32 = arith.constant 0 : i32
    %c0_i32_0 = arith.constant 0 : i32
    %c0_i32_1 = arith.constant 0 : i32
    return %c0_i32, %c0_i32_0 : i32, i32
  }
  func.func @transform_4(%arg0: i32) -> (i32, i32) {
    %c0_i32 = arith.constant 0 : i32
    %c0_i32_0 = arith.constant 0 : i32
    return %arg0, %c0_i32 : i32, i32
  }
}

</mosaic_0001>

<sc_bundles>
// kernel: kernel.11.cloned.1.call-start
scs
__scs_entry_jumppad:
0x0: {  	(pc) =	sbr.rel $0x88, $3  }
0x1: {  	(tag) =	ssettag $0x0;
	lr =	simm.s32 $0x1  }
0x2: {  	[smem:$0x3F9D] =	sst lr;
	_ =	strace $0xD0000000  }
0x3: {  	_ = 	snop  }
0x4: {  	_ = 	snop  }
0x5: {  	_ = 	snop  }
0x6: {  	_ = 	snop  }
0x7: {  	_ = 	snop  }
__scs_overlays_trampoline_lowered:
0x8: {  	[smem:$0x3FAC] =	sst s0  }
0x9: {  	[smem:$0x3FAD] =	sst s1  }
0xa: {  	[smem:$0x3FAE] =	sst s2  }
0xb: {  	[smem:$0x3FAF] =	sst s3  }
0xc: {  	[smem:$0x3FB0] =	sst s4  }
0xd: {  	[smem:$0x3FB1] =	sst s5  }
0xe: {  	[smem:$0x3FB2] =	sst s6  }
0xf: {  	[smem:$0x3FB3] =	sst s7  }
0x10: {  	[smem:$0x3FB4] =	sst s8  }
0x11: {  	[smem:$0x3FB5] =	sst s9;
	s0 =	simm.s32 @!p0 $0x0  }
0x12: {  	s1 =	sld [smem:$0x3F9B];
	s0 =	simm.s32 @p0 $0x1  }
0x13: {  	[smem:$0x3FB6] =	sst s0;
	s0 =	simm.s32 @!p1 $0x0  }
0x14: {  	s2 =	sld [smem:$0x3F9A];
	s0 =	simm.s32 @p1 $0x1  }
0x15: {  	[smem:$0x3FB7] =	sst s0;
	s0 =	simm.s32 @!p2 $0x0  }
0x16: {  	s3 =	sld [smem:$0x3FDB];
	s0 =	simm.s32 @p2 $0x1  }
0x17: {  	s4 =	simm.s32 $0x1BF5;
	[smem:$0x3FB9] =	sst s0  }
0x18: {  	s0 =	sld [smem:$0x3F9C];
	_ =	swait.ge [sflag:s4], $0x0  }
0x19: {  	s7 =	sld [smem:$0x3F9D]  }
0x1a: {  	s8 =	sadd.s32 $0xFFFFE003, lr  }
0x1b: {  	s9 =	sadd.s32 $0xFFFFFEF7, lr;
	s5 =	simm.s32 $0xFFFFFFFF;
	p2 =	slt.u32 s8, $0xFFFFF086  }
0x1c: {  	p1 =	slt.u32 s9, $0xF7A;
	s5 =	simm.s32 @!p2 $0x0  }
0x1d: {  	s5 =	simm.s32 @p1 $0x1;
	p0 =	seq.s32 s7, s2  }
0x1e: {  	s7 =	smul.u32 @!p0 $0xF7A, s2;
	p2 =	seq.s32 @!p0 s5, $0x0  }
0x1f: {  	s9 =	smul.u32 $0xF7A, s1;
	s8 =	simm.s32 @!p0 $0x1BF5;
	p2 =	por !p2, p0  }
0x20: {  	[sflag:s8] =	ssyncset.s32 @!p0 $0xFFFFF086;
	s6 =	sadd.s32 @!p0 s3, s7;
	s7 =	simm.s32 @!p0 $0x108  }
0x21: {  	s3 =	sadd.s32 s3, s9;
	s6 =	sadd.s32 @!p0 $0x88, s6;
	s7 =	simm.s32 @p2 $0x1082  }
0x22: {  	[simem:s7], [sflag:s8] =	dma.local @!p0 [hbm:s6], $0xF7A  }
0x23: {  	s9 =	sor.u32 $0xD0000000, s2;
	s6 =	simm.s32 $0x108;
	_ =	swait.ge @!p0 [sflag:s8], $0x0  }
0x24: {  	s3 =	sadd.s32 $0x88, s3;
	s6 =	simm.s32 @!p1 $0x1082;
	[sflag:s4] =	ssyncset.s32 $0xFFFFF086  }
0x25: {  	[simem:s6], [sflag:s4] =	dma.local [hbm:s3], $0xF7A  }
0x26: {  	[smem:$0x3F9D] =	sst s1;
	(tag) =	ssettag s2;
	_ =	strace s9  }
0x27: {  	s1 =	sld [smem:$0x3FAD]  }
0x28: {  	s2 =	sld [smem:$0x3FAE]  }
0x29: {  	s4 =	sld [smem:$0x3FB0]  }
0x2a: {  	p0 =	seq.s32 s5, $0x0;
	s5 =	sld [smem:$0x3FB1]  }
0x2b: {  	s6 =	sld [smem:$0x3FB2]  }
0x2c: {  	s7 =	sld [smem:$0x3FB3]  }
0x2d: {  	s3 =	simm.s32 $0x108;
	s8 =	sld [smem:$0x3FB4]  }
0x2e: {  	s3 =	simm.s32 @!p0 $0x1082;
	s9 =	sld [smem:$0x3FB5]  }
0x2f: {  	lr =	sadd.s32 s0, s3;
	s0 =	sld [smem:$0x3FAC]  }
0x30: {  	s3 =	sld [smem:$0x3FAF]  }
0x31: {  	[smem:$0x3FB8] =	sst s10  }
0x32: {  	s10 =	sld [smem:$0x3FB6];
	_ =	sdelay $0x3  }
0x33: {  	p0 =	seq.s32 s10, $0x1;
	s10 =	sld [smem:$0x3FB8];
	_ =	sdelay $0x3  }
0x34: {  	[smem:$0x3FB8] =	sst s10  }
0x35: {  	s10 =	sld [smem:$0x3FB7];
	_ =	sdelay $0x3  }
0x36: {  	p1 =	seq.s32 s10, $0x1;
	s10 =	sld [smem:$0x3FB8];
	_ =	sdelay $0x3  }
0x37: {  	[smem:$0x3FB8] =	sst s10  }
0x38: {  	s10 =	sld [smem:$0x3FB9]  }
0x39: {  	_ = 	snop;
	(pc) =	sbr.ind lr, $3  }
0x3a: {  	_ = 	snop  }
0x3b: {  	_ = 	snop  }
0x3c: {  	p2 =	seq.s32 s10, $0x1;
	s10 =	sld [smem:$0x3FB8]  }
0x3d: {  	_ =	shalt  }
0x3e: {  	_ =	shalt  }
0x3f: {  	_ =	shalt  }
0x40: {  	_ =	shalt  }
0x41: {  	_ =	shalt  }
0x42: {  	_ =	shalt  }
0x43: {  	_ =	shalt  }
0x44: {  	_ =	shalt  }
0x45: {  	_ =	shalt  }
0x46: {  	_ =	shalt  }
0x47: {  	_ =	shalt  }
0x48: {  	_ =	shalt  }
0x49: {  	_ =	shalt  }
0x4a: {  	_ =	shalt  }
0x4b: {  	_ =	shalt  }
0x4c: {  	_ =	shalt  }
0x4d: {  	_ =	shalt  }
0x4e: {  	_ =	shalt  }
0x4f: {  	_ =	shalt  }
0x50: {  	_ =	shalt  }
0x51: {  	_ =	shalt  }
0x52: {  	_ =	shalt  }
0x53: {  	_ =	shalt  }
0x54: {  	_ =	shalt  }
0x55: {  	_ =	shalt  }
0x56: {  	_ =	shalt  }
0x57: {  	_ =	shalt  }
0x58: {  	_ =	shalt  }
0x59: {  	_ =	shalt  }
0x5a: {  	_ =	shalt  }
0x5b: {  	_ =	shalt  }
0x5c: {  	_ =	shalt  }
0x5d: {  	_ =	shalt  }
0x5e: {  	_ =	shalt  }
0x5f: {  	_ =	shalt  }
0x60: {  	_ =	shalt  }
0x61: {  	_ =	shalt  }
0x62: {  	_ =	shalt  }
0x63: {  	_ =	shalt  }
0x64: {  	_ =	shalt  }
0x65: {  	_ =	shalt  }
0x66: {  	_ =	shalt  }
0x67: {  	_ =	shalt  }
0x68: {  	_ =	shalt  }
0x69: {  	_ =	shalt  }
0x6a: {  	_ =	shalt  }
0x6b: {  	_ =	shalt  }
0x6c: {  	_ =	shalt  }
0x6d: {  	_ =	shalt  }
0x6e: {  	_ =	shalt  }
0x6f: {  	_ =	shalt  }
0x70: {  	_ =	shalt  }
0x71: {  	_ =	shalt  }
0x72: {  	_ =	shalt  }
0x73: {  	_ =	shalt  }
0x74: {  	_ =	shalt  }
0x75: {  	_ =	shalt  }
0x76: {  	_ =	shalt  }
0x77: {  	_ =	shalt  }
0x78: {  	_ =	shalt  }
0x79: {  	_ =	shalt  }
0x7a: {  	_ =	shalt  }
0x7b: {  	_ =	shalt  }
0x7c: {  	_ =	shalt  }
0x7d: {  	_ =	shalt  }
0x7e: {  	_ =	shalt  }
0x7f: {  	_ =	shalt  }
0x80: {  	_ =	shalt  }
0x81: {  	_ =	shalt  }
0x82: {  	_ =	shalt  }
0x83: {  	_ =	shalt  }
0x84: {  	_ =	shalt  }
0x85: {  	_ =	shalt  }
0x86: {  	_ =	shalt  }
0x87: {  	_ =	shalt  }
.Lfunc_end0:
.L_simem_size_0:
called_computation.1_lowered:
.L_overlay_start_0:
0x88: {  	s2 =	sld [smem:$0x3FD9]  }
0x89: {  	s3 =	sld [smem:$0x3FFE];
	_ =	sdelay $0x1  }
0x8a: {  	s1 =	srdreg.scid  }
0x8b: {  	s0 =	sand.u32 $0x1, s1  }
0x8c: {  	s17 =	sshll.u32 s0, $0xA;
	s2 =	sadd.s32 s3, s2  }
0x8d: {  	s2 =	sadd.s32 s2, s17  }
0x8e: {  	[smem:$0x3FC4] =	sst s2  }
0x8f: {  	_ = 	snop  }
0x90: {  	s2 =	sld [smem:$0x3FD0];
	(tm) =	ssettm $0x1  }
0x91: {  	s18 =	sld [smem:$0x3FFB];
	_ =	sdelay $0x3  }
0x92: {  	_ =	strace s18  }
0x93: {  	s3 =	sld [smem:$0x3FFC];
	_ =	sdelay $0x3  }
0x94: {  	_ =	strace s3  }
0x95: {  	s3 =	sld [smem:$0x3FFD];
	_ =	sdelay $0x3  }
0x96: {  	_ =	strace s3  }
0x97: {  	_ =	strace $0x8FFFFFFF  }
0x98: {  	s19 =	sld [smem:$0x3FDB];
	_ =	sdelay $0x1  }
0x99: {  	s4 =	simm.s32 $_scs_section_size  }
0x9a: {  	s5 =	simm.s32 $_size__tile_overlayer_lowered;
	s6 =	simm.s32 $_tile_overlayer_lowered  }
0x9b: {  	s22 =	simm.s32 $0x1BFF;
	s21 =	sshll.u32 s6, $0x1;
	s3 =	sadd.s32 s4, s19  }
0x9c: {  	s7 =	simm.s32 $0x0;
	s20 =	sshll.u32 s5, $0x1;
	s5 =	sadd.s32 s21, s3  }
0x9d: {  	[timem:s7], [sflag:s22] =	dma.local [hbm:s5], s20  }
0x9e: {  	_ =	swait.ge [sflag:s22], s20  }
0x9f: {  	s4 =	ssub.s32 $0x0, s20;
	[sflag:s22] =	ssyncset.done $0x0  }
0xa0: {  	[sflag:s22] =	ssyncadd.s32 s4;
	_ =	sdelay $0x1  }
0xa1: {  	s23 =	simm.s32 $0x1B8B  }
0xa2: {  	_ =	swait.ge [sflag:s23], $0x1  }
0xa3: {  	[sflag:s23] =	ssyncset.done $0x0  }
0xa4: {  	s25 =	simm.s32 $0x1B8E;
	s24 =	sld [smem:$0x3FFE];
	[sflag:s23] =	ssyncadd.s32 $0xFFFFFFFF  }
0xa5: {  	s26 =	simm.s32 $execute0_lowered;
	[smem:$0x3FD2] =	sst s25  }
0xa6: {  	s5 =	sshll.u32 s26, $0x1;
	_ =	strace $0x80000049;
	[dreg:$0x1] =	wrdreg $0xFFFFFFFF  }
0xa7: {  	s28 =	simm.s32 $_size_execute0_lowered;
	s3 =	sadd.s32 s3, s5;
	[dreg:$0x0] =	wrdreg $0x0  }
0xa8: {  	s5 =	sshll.u32 s28, $0x1;
	[dreg:$0x2] =	wrdreg s3  }
0xa9: {  	[dreg:$0x3] =	wrdreg s5  }
0xaa: {  	[dreg:$0x4] =	wrdreg $0xC0  }
0xab: {  	_ =	task [dreg:s7], $0x5FFFF  }
0xac: {  	[dreg:$0x1] =	wrdreg $0xFFFFFFFF  }
0xad: {  	[dreg:$0x0] =	wrdreg $0x60  }
0xae: {  	[dreg:$0x2] =	wrdreg s2  }
0xaf: {  	[dreg:$0x3] =	wrdreg s24  }
0xb0: {  	[dreg:$0x4] =	wrdreg $0x0  }
0xb1: {  	[dreg:$0x5] =	wrdreg $0x9  }
0xb2: {  	_ =	task.clear_ibuf [dreg:s7], $0x6FFFF;
	_ =	strace $0x90000049  }
0xb3: {  	s29 =	simm.s32 $0x9;
	_ =	strace $0x8000004B  }
0xb4: {  	_ =	swait.ge [sflag:s29], $0x1  }
0xb5: {  	[sflag:s29] =	ssyncadd.s32 $0xFFFFFFFF  }
0xb6: {  	_ =	strace $0x9000004B  }
0xb7: {  	_ =	sfence  }
0xb8: {  	s30 =	sld [smem:$0x0];
	_ =	sdelay $0x2  }
0xb9: {  	s31 =	sshll.u32 s1, $0xD;
	s1 =	sshrl.u32 s1, $0x2  }
0xba: {  	s3 =	sand.u32 $0x4000, s31;
	s1 =	sadd.s32 s1, s30  }
0xbb: {  	s0 =	sor.u32 s3, s0;
	s1 =	sshll.u32 s1, $0x11  }
0xbc: {  	s0 =	sor.u32 s1, s0  }
0xbd: {  	s0 =	sadd.s32 $0x8F2B, s0  }
0xbe: {  	[sflag:s0] =	ssyncadd.remote.s32 $0x1  }
0xbf: {  	_ =	sfence.sel $0xFFFF  }
0xc0: {  	[dreg:$0x0] =	wrdreg $0xFFFFFFFF;
	(pc) =	sbr.abs _section_cstart, $3  }
0xc1: {  	[dreg:$0x1] =	wrdreg $0xFFFFFFFF  }
0xc2: {  	_ =	task.clear_ibuf [dreg:s7], $0x2FFFF;
	_ =	strace $0x9FFFFFFF  }
0xc3: {  	(tm) =	ssettm $0x7FFFFFFF  }
tec
execute0_lowered:
.L_overlay_start_1:
0x0: {  	(tag) =	ssettag $0x1  }
0x1: {  	s1 =	rddreg [dreg:$0x0]  }
0x2: {  	s0 =	rddreg [dreg:$0x1]  }
0x3: {  	s2 =	rddreg [dreg:$0x2];
	s3 =	srdreg.scid;
	s4 =	simm.s32 $0x0  }
0x4: {  	s30 =	simm.s32 $0x14000;
	s31 =	simm.s32 $0x5;
	s7 =	sand.u32 $0x1, s3  }
0x5: {  	s3 =	stileid.u32;
	[smem:$0x7FF] =	sst s4;
	s5 =	sshll.u32 s7, $0x4  }
0x6: {  	_ =	strace $0x8000004A;
	s8 =	smul.u32 $0x28000, s7;
	s9 =	ssub.s32 $0x2, s7  }
0x7: {  	s17 =	smul.u32 $0x50000, s3;
	p0 =	seq.s32 s7, $0x1;
	p1 =	seq.s32 s3, $0xF  }
0x8: {  	s5 =	sor.u32 s3, s5;
	s15 =	sshrl.u32 s9, $0x1;
	p1 =	por p1, p0  }
0x9: {  	s6 =	smul.u32 $0x4E2, s5;
	s5 =	sshll.u32 s5, $0xB;
	s16 =	ssub.s32 s9, s15  }
0xa: {  	s18 =	sshrl.u32 s17, $0x2;
	s9 =	smul.u32 $0x2800, s3;
	s10 =	sadd.s32 s5, s0  }
0xb: {  	s7 =	sadd.s32 s18, s2;
	s14 =	sadd.s32 s6, s0;
	s0 =	sadd.s32 s8, s0  }
0xc: {  	s6 =	sadd.s32 $0xB800, s10;
	s10 =	smul.u32 $0x280, s3;
	s12 =	sadd.s32 s1, s9  }
0xd: {  	s8 =	smax.u32 s16, $0x1;
	s29 =	sadd.s32 $0x2800, s7;
	[dreg:$0x4] =	wrdreg s12  }
0xe: {  	s5 =	sadd.s32 $0x1A00, s14;
	s0 =	sadd.s32 $0x1B800, s0;
	[dreg:$0xa] =	wrdreg s29  }
0xf: {  	s29 =	sadd.s32 $0xA000, s7;
	s11 =	sor.u32 $0x50, s10;
	s13 =	sadd.s32 $0xA0, s10  }
0x10: {  	s21 =	sadd.s32 $0xF0, s10;
	s15 =	sadd.s32 $0x140, s10;
	s24 =	sadd.s32 $0x190, s10  }
0x11: {  	s18 =	sadd.s32 $0x1E0, s10;
	s10 =	sadd.s32 $0x230, s10;
	[dreg:$0x11] =	wrdreg s29  }
0x12: {  	s19 =	sshll.u32 s11, $0x7;
	s11 =	sshll.u32 s11, $0x4;
	s20 =	sshll.u32 s13, $0x7  }
0x13: {  	s13 =	sshll.u32 s13, $0x4;
	s14 =	sshll.u32 s21, $0x7;
	s22 =	sshll.u32 s15, $0x7  }
0x14: {  	s23 =	sshll.u32 s15, $0x4;
	s25 =	sshll.u32 s24, $0x7;
	s17 =	sshll.u32 s24, $0x4  }
0x15: {  	s28 =	sshll.u32 s18, $0x7;
	s15 =	simm.s32 $0x1A780;
	s12 =	sadd.s32 s19, s2  }
0x16: {  	s11 =	sadd.s32 s1, s11;
	s13 =	sadd.s32 s1, s13;
	s16 =	sadd.s32 s14, s2  }
0x17: {  	s14 =	sadd.s32 s1, s23;
	s26 =	sadd.s32 s1, s17;
	s17 =	sadd.s32 s28, s2  }
0x18: {  	s19 =	sshll.u32 s18, $0x4;
	s18 =	sadd.s32 s9, s0;
	[dreg:$0x5] =	wrdreg s11  }
0x19: {  	s28 =	sadd.s32 $0x7800, s7;
	s0 =	simm.s32 $0x16780;
	[dreg:$0x6] =	wrdreg s13  }
0x1a: {  	s9 =	simm.s32 $0x50;
	s11 =	sadd.s32 s20, s2;
	[dreg:$0x8] =	wrdreg s14  }
0x1b: {  	s13 =	sshll.u32 s21, $0x4;
	s14 =	sadd.s32 s25, s2;
	[dreg:$0x9] =	wrdreg s26  }
0x1c: {  	s20 =	sshll.u32 s10, $0x7;
	s19 =	sadd.s32 s1, s19;
	s21 =	sshll.u32 s10, $0x4  }
0x1d: {  	s24 =	sshrl.u32 s16, $0x3;
	s26 =	sadd.s32 $0x5000, s7;
	[dreg:$0x10] =	wrdreg s28  }
0x1e: {  	s16 =	simm.s32 $0x2;
	s10 =	simm.s32 $0x6;
	s13 =	sadd.s32 s1, s13  }
0x1f: {  	s20 =	sadd.s32 s20, s2;
	s21 =	sadd.s32 s1, s21;
	[dreg:$0xd] =	wrdreg s24  }
0x20: {  	s23 =	sshrl.u32 s11, $0x3;
	[dreg:$0xf] =	wrdreg s26;
	s11 =	simm.s32 $0x1CF80  }
0x21: {  	s26 =	simm.s32 $0x0;
	[dreg:$0x7] =	wrdreg s13;
	s13 =	sadd.s32 s22, s2  }
0x22: {  	s22 =	sshrl.u32 s12, $0x3;
	[dreg:$0xc] =	wrdreg s23;
	s12 =	simm.s32 $0x1  }
0x23: {  	s23 =	simm.s32 $0x166C0;
	[dreg:$0xb] =	wrdreg s22;
	s25 =	sshrl.u32 s13, $0x3  }
0x24: {  	v0 =	vimm.f32 $0.0e+00;
	s13 =	simm.s32 $0x3;
	s22 =	simm.s32 $0x4;
	[dreg:$0xe] =	wrdreg s25  }
.LBB2_1:
0x25: {  	[tilespmem:s30], [sflag:$0x5] =	stream.linear.gather [hbm4b:s5+s4], $0x2710, $0x38;
	[tilespmem:$0x1F780] =	vst v63  }
0x26: {  	_ =	swait.ge [sflag:s31], $0x2710  }
0x27: {  	[sflag:s31] =	ssyncset.done $0x0  }
0x28: {  	[sflag:s31] =	ssyncadd.s32 $0xFFFFD8F0  }
0x29: {  	[tilespmem:s0], [sflag:$0x5] =	stream.linear.gather [hbm4b:s6+s4], $0x3E80, $0x38;
	[tilespmem:$0x1F780] =	vst v63  }
0x2a: {  	_ =	swait.ge [sflag:s31], $0x3E80  }
0x2b: {  	[sflag:s31] =	ssyncset.done $0x0  }
0x2c: {  	s28 =	simm.s32 $0x70;
	s29 =	simm.s32 $0x3C0;
	[sflag:s31] =	ssyncadd.s32 $0xFFFFC180  }
.LBB2_2:
0x2d: {  	p2 =	sne.s32 s29, $0x9FC0;
	[tilespmem:s28+$0x1A780] =	vst v0  }
0x2e: {  	[tilespmem:s28+$0x1A710] =	vst v0  }
0x2f: {  	[tilespmem:s28+$0x1A720] =	vst v0  }
.Ltmp0:
0x30: {  	[tilespmem:s28+$0x1A730] =	vst v0;
	(pc) =	sbr.rel @p2 .LBB2_2-.Ltmp0, $4  }
0x31: {  	[tilespmem:s28+$0x1A740] =	vst v0  }
0x32: {  	[tilespmem:s28+$0x1A750] =	vst v0  }
0x33: {  	[tilespmem:s28+$0x1A760] =	vst v0  }
0x34: {  	[tilespmem:s28+$0x1A770] =	vst v0;
	s28 =	sshra.s32 s29, $0x2;
	s29 =	sadd.s32 $0x200, s29  }
0x35: {  	[tilespmem:s28+$0x1A780] =	vst v0  }
0x36: {  	[tilespmem:s28+$0x1A710] =	vst v0  }
0x37: {  	[tilespmem:s28+$0x1A720] =	vst v0  }
.Ltmp1:
0x38: {  	[tilespmem:s28+$0x1A730] =	vst v0;
	(pc) =	sbr.rel @!p0 .LBB2_6-.Ltmp1, $4  }
0x39: {  	[tilespmem:s28+$0x1A740] =	vst v0  }
0x3a: {  	[tilespmem:s28+$0x1A750] =	vst v0  }
0x3b: {  	[tilespmem:s28+$0x1A760] =	vst v0  }
0x3c: {  	[tilespmem:s28+$0x1A770] =	vst v0  }
0x3d: {  	[spmem:s7] =	stream.linear.scatter [tilespmem:s15], [sflag:$0x5], $0x2800, $0x38;
	[tilespmem:$0x1F780] =	vst v63  }
0x3e: {  	_ =	swait.ge [sflag:s31], $0x2800  }
0x3f: {  	[sflag:s31] =	ssyncset.done $0x0  }
0x40: {  	s24 =	rddreg [dreg:$0xa];
	[sflag:s31] =	ssyncadd.s32 $0xFFFFD800  }
0x41: {  	[spmem:s24] =	stream.linear.scatter [tilespmem:s15], [sflag:$0x5], $0x2800, $0x38;
	[tilespmem:$0x1F780] =	vst v63  }
0x42: {  	_ =	swait.ge [sflag:s31], $0x2800  }
0x43: {  	[sflag:s31] =	ssyncset.done $0x0  }
0x44: {  	s25 =	rddreg [dreg:$0xf];
	[sflag:s31] =	ssyncadd.s32 $0xFFFFD800  }
0x45: {  	[spmem:s25] =	stream.linear.scatter [tilespmem:s15], [sflag:$0x5], $0x2800, $0x38;
	[tilespmem:$0x1F780] =	vst v63  }
0x46: {  	_ =	swait.ge [sflag:s31], $0x2800  }
0x47: {  	[sflag:s31] =	ssyncset.done $0x0  }
0x48: {  	s28 =	rddreg [dreg:$0x10];
	[sflag:s31] =	ssyncadd.s32 $0xFFFFD800  }
0x49: {  	[spmem:s28] =	stream.linear.scatter [tilespmem:s15], [sflag:$0x5], $0x2800, $0x38;
	[tilespmem:$0x1F780] =	vst v63  }
0x4a: {  	_ =	swait.ge [sflag:s31], $0x2800  }
0x4b: {  	[sflag:s31] =	ssyncset.done $0x0  }
.Ltmp2:
0x4c: {  	s29 =	rddreg [dreg:$0x11];
	[sflag:s31] =	ssyncadd.s32 $0xFFFFD800;
	(pc) =	sbr.rel .LBB2_5-.Ltmp2, $4  }
0x4d: {  	[spmem:s29] =	stream.linear.scatter [tilespmem:s15], [sflag:$0x5], $0x2800, $0x38;
	[tilespmem:$0x1F780] =	vst v63  }
0x4e: {  	_ =	swait.ge [sflag:s31], $0x2800  }
0x4f: {  	[sflag:s31] =	ssyncset.done $0x0  }
0x50: {  	[sflag:s31] =	ssyncadd.s32 $0xFFFFD800  }
.LBB2_6:
0x51: {  	s24 =	sshll.u32 s3, $0x6  }
0x52: {  	s29 =	sshrl.u32 s7, $0x3;
	s25 =	rddreg [dreg:$0x4];
	s28 =	sor.u32 $0x1C06, s24  }
0x53: {  	[spmem:s29], [sflag:s28] =	dma.local [hbm:s25], $0x500  }
0x54: {  	_ =	swait.ge [sflag:s10], $0x500  }
0x55: {  	[sflag:s10] =	ssyncset.done $0x0;
	s25 =	rddreg [dreg:$0x5]  }
0x56: {  	s29 =	rddreg [dreg:$0xb];
	[sflag:s10] =	ssyncadd.s32 $0xFFFFFB00  }
0x57: {  	[spmem:s29], [sflag:s28] =	dma.local [hbm:s25], $0x500  }
0x58: {  	_ =	swait.ge [sflag:s10], $0x500  }
0x59: {  	[sflag:s10] =	ssyncset.done $0x0;
	s25 =	rddreg [dreg:$0x6]  }
0x5a: {  	s29 =	rddreg [dreg:$0xc];
	[sflag:s10] =	ssyncadd.s32 $0xFFFFFB00  }
0x5b: {  	[spmem:s29], [sflag:s28] =	dma.local [hbm:s25], $0x500  }
0x5c: {  	_ =	swait.ge [sflag:s10], $0x500  }
0x5d: {  	[sflag:s10] =	ssyncset.done $0x0;
	s25 =	rddreg [dreg:$0x7]  }
0x5e: {  	s29 =	rddreg [dreg:$0xd];
	[sflag:s10] =	ssyncadd.s32 $0xFFFFFB00  }
0x5f: {  	[spmem:s29], [sflag:s28] =	dma.local [hbm:s25], $0x500  }
0x60: {  	_ =	swait.ge [sflag:s10], $0x500  }
0x61: {  	[sflag:s10] =	ssyncset.done $0x0;
	s25 =	rddreg [dreg:$0x8]  }
.Ltmp3:
0x62: {  	s29 =	rddreg [dreg:$0xe];
	[sflag:s10] =	ssyncadd.s32 $0xFFFFFB00;
	(pc) =	sbr.rel @!p1 .LBB2_7-.Ltmp3, $4  }
0x63: {  	[spmem:s29], [sflag:s28] =	dma.local [hbm:s25], $0x500  }
0x64: {  	_ =	swait.ge [sflag:s10], $0x500  }
0x65: {  	[sflag:s10] =	ssyncset.done $0x0  }
0x66: {  	[sflag:s10] =	ssyncadd.s32 $0xFFFFFB00  }
.LBB2_5:
.Ltmp4:
0x67: {  	(pc) =	sbr.rel .LBB2_8-.Ltmp4, $4  }
0x68: {  	[spmem:s14] =	stream.linear.scatter [tilespmem:s15], [sflag:$0x5], $0x2800, $0x38;
	[tilespmem:$0x1F780] =	vst v63  }
0x69: {  	_ =	swait.ge [sflag:s31], $0x2800  }
0x6a: {  	[sflag:s31] =	ssyncset.done $0x0  }
0x6b: {  	[sflag:s31] =	ssyncadd.s32 $0xFFFFD800  }
.LBB2_7:
0x6c: {  	s24 =	sshrl.u32 s14, $0x3;
	s25 =	rddreg [dreg:$0x9]  }
0x6d: {  	[spmem:s24], [sflag:s28] =	dma.local [hbm:s25], $0x500  }
0x6e: {  	_ =	swait.ge [sflag:s10], $0x500  }
0x6f: {  	[sflag:s10] =	ssyncset.done $0x0  }
0x70: {  	[sflag:s10] =	ssyncadd.s32 $0xFFFFFB00  }
.LBB2_8:
0x71: {  	s24 =	simm.s32 @p1 $0x1A780;
	s28 =	simm.s32 @p1 $0x5  }
0x72: {  	[spmem:s17] =	stream.linear.scatter @p1 [tilespmem:s24], [sflag:$0x5], $0x2800, $0x38;
	[tilespmem:$0x1F780] =	vst v63  }
0x73: {  	_ =	swait.ge @p1 [sflag:s28], $0x2800  }
0x74: {  	s29 =	sshll.u32 @!p1 s3, $0x6;
	[sflag:s28] =	ssyncset.done @p1 $0x0  }
0x75: {  	s25 =	sshrl.u32 @!p1 s17, $0x3;
	s29 =	sor.u32 @!p1 $0x1C06, s29;
	[sflag:s28] =	ssyncadd.s32 @p1 $0xFFFFD800  }
0x76: {  	[spmem:s25], [sflag:s29] =	dma.local @!p1 [hbm:s19], $0x500  }
0x77: {  	s25 =	simm.s32 @!p1 $0x6  }
0x78: {  	_ =	swait.ge @!p1 [sflag:s25], $0x500  }
0x79: {  	[sflag:s25] =	ssyncset.done @!p1 $0x0  }
0x7a: {  	[sflag:s25] =	ssyncadd.s32 @!p1 $0xFFFFFB00  }
0x7b: {  	[spmem:s20] =	stream.linear.scatter @p1 [tilespmem:s24], [sflag:$0x5], $0x2800, $0x38;
	[tilespmem:$0x1F780] =	vst v63  }
0x7c: {  	_ =	swait.ge @p1 [sflag:s28], $0x2800  }
0x7d: {  	[sflag:s28] =	ssyncset.done @p1 $0x0  }
0x7e: {  	s24 =	sshrl.u32 @!p1 s20, $0x3;
	[sflag:s28] =	ssyncadd.s32 @p1 $0xFFFFD800  }
0x7f: {  	[spmem:s24], [sflag:s29] =	dma.local @!p1 [hbm:s21], $0x500  }
0x80: {  	_ =	swait.ge @!p1 [sflag:s25], $0x500  }
0x81: {  	[sflag:s25] =	ssyncset.done @!p1 $0x0  }
0x82: {  	[sflag:s25] =	ssyncadd.s32 @!p1 $0xFFFFFB00  }
0x83: {  	[bflag:$0x0] =	sbarrier.arrive $0xFFFF  }
0x84: {  	[tilespmem:s15], [sflag:$0x1] =	stream.indirect.gather [hbm4b:s1+s9], $0x80, s30, s9, $0xb8;
	[tilespmem:$0x1F780] =	vst v63  }
0x85: {  	s25 =	simm.s32 $0x14050  }
0x86: {  	[tilespmem:s11], [sflag:$0x2] =	stream.indirect.gather [hbm4b:s1+s9], $0x80, s25, s9, $0xb8;
	[tilespmem:$0x1F780] =	vst v63  }
0x87: {  	_ =	swait.ge [sflag:s12], $0x2800  }
0x88: {  	[sflag:s12] =	ssyncset.done $0x0  }
0x89: {  	[sflag:s12] =	ssyncadd.s32 $0xFFFFD800  }
0x8a: {  	[spmem:s2] =	stream.indirect.scatter.add.f32 [tilespmem:s15], [sflag:$0x3], $0x80, s0, s9, $0xb8;
	[tilespmem:$0x1F780] =	vst v63  }
0x8b: {  	_ =	swait.ge [sflag:s13], $0x2800  }
0x8c: {  	[sflag:s13] =	ssyncset.done $0x0  }
0x8d: {  	s25 =	simm.s32 $0x140A0;
	[sflag:s13] =	ssyncadd.s32 $0xFFFFD800  }
0x8e: {  	[tilespmem:s15], [sflag:$0x1] =	stream.indirect.gather [hbm4b:s1+s9], $0x80, s25, s9, $0xb8;
	[tilespmem:$0x1F780] =	vst v63  }
0x8f: {  	_ =	swait.ge [sflag:s16], $0x2800  }
0x90: {  	[sflag:s16] =	ssyncset.done $0x0  }
0x91: {  	s25 =	simm.s32 $0x16800;
	[sflag:s16] =	ssyncadd.s32 $0xFFFFD800  }
0x92: {  	[spmem:s2] =	stream.indirect.scatter.add.f32 [tilespmem:s11], [sflag:$0x4], $0x80, s25, s9, $0xb8;
	[tilespmem:$0x1F780] =	vst v63  }
0x93: {  	_ =	swait.ge [sflag:s22], $0x2800  }
0x94: {  	[sflag:s22] =	ssyncset.done $0x0  }
0x95: {  	s25 =	simm.s32 $0x140F0;
	[sflag:s22] =	ssyncadd.s32 $0xFFFFD800  }
0x96: {  	[tilespmem:s11], [sflag:$0x2] =	stream.indirect.gather [hbm4b:s1+s9], $0x80, s25, s9, $0xb8;
	[tilespmem:$0x1F780] =	vst v63  }
0x97: {  	_ =	swait.ge [sflag:s12], $0x2800  }
0x98: {  	s28 =	simm.s32 $0xFFFF1000;
	[sflag:s12] =	ssyncset.done $0x0  }
0x99: {  	s24 =	simm.s32 $0x16880;
	s29 =	simm.s32 $0x14190;
	[sflag:s12] =	ssyncadd.s32 $0xFFFFD800  }
.LBB2_9:
0x9a: {  	[spmem:s2] =	stream.indirect.scatter.add.f32 [tilespmem:s15], [sflag:$0x3], $0x80, s24, s9, $0xb8;
	[tilespmem:$0x1F780] =	vst v63  }
0x9b: {  	s24 =	smov.u32 s28  }
0x9c: {  	p2 =	sne.s32 s28, $0xFFFFFC00;
	s28 =	sadd.s32 $0x400, s28;
	_ =	swait.ge [sflag:s13], $0x2800  }
0x9d: {  	[sflag:s13] =	ssyncset.done $0x0  }
0x9e: {  	s25 =	sadd.s32 $0xFFFFFFB0, s29;
	[sflag:s13] =	ssyncadd.s32 $0xFFFFD800  }
0x9f: {  	[tilespmem:s15], [sflag:$0x1] =	stream.indirect.gather [hbm4b:s1+s9], $0x80, s25, s9, $0xb8;
	[tilespmem:$0x1F780] =	vst v63  }
0xa0: {  	_ =	swait.ge [sflag:s16], $0x2800  }
0xa1: {  	s24 =	sshra.s32 s24, $0x2;
	[sflag:s16] =	ssyncset.done $0x0  }
0xa2: {  	s25 =	sadd.s32 $0x1A500, s24;
	[sflag:s16] =	ssyncadd.s32 $0xFFFFD800  }
0xa3: {  	[spmem:s2] =	stream.indirect.scatter.add.f32 [tilespmem:s11], [sflag:$0x4], $0x80, s25, s9, $0xb8;
	[tilespmem:$0x1F780] =	vst v63  }
0xa4: {  	_ =	swait.ge [sflag:s22], $0x2800  }
0xa5: {  	[sflag:s22] =	ssyncset.done $0x0  }
.Ltmp5:
0xa6: {  	[sflag:s22] =	ssyncadd.s32 $0xFFFFD800;
	(pc) =	sbr.rel @p2 .LBB2_9-.Ltmp5, $4  }
0xa7: {  	[tilespmem:s11], [sflag:$0x2] =	stream.indirect.gather [hbm4b:s1+s9], $0x80, s29, s9, $0xb8;
	[tilespmem:$0x1F780] =	vst v63  }
0xa8: {  	_ =	swait.ge [sflag:s12], $0x2800  }
0xa9: {  	[sflag:s12] =	ssyncset.done $0x0  }
0xaa: {  	s24 =	sadd.s32 $0x1A580, s24;
	s29 =	sadd.s32 $0xA0, s29;
	[sflag:s12] =	ssyncadd.s32 $0xFFFFD800  }
0xab: {  	[spmem:s2] =	stream.indirect.scatter.add.f32 [tilespmem:s15], [sflag:$0x3], $0x80, s24, s9, $0xb8;
	[tilespmem:$0x1F780] =	vst v63  }
0xac: {  	_ =	swait.ge [sflag:s13], $0x2800  }
0xad: {  	[sflag:s13] =	ssyncset.done $0x0  }
0xae: {  	[sflag:s13] =	ssyncadd.s32 $0xFFFFD800  }
0xaf: {  	[tilespmem:s15], [sflag:$0x1] =	stream.indirect.gather [hbm4b:s1+s9], $0x80, s23, s9, $0xb8;
	[tilespmem:$0x1F780] =	vst v63  }
0xb0: {  	_ =	swait.ge [sflag:s16], $0x2800  }
0xb1: {  	[sflag:s16] =	ssyncset.done $0x0  }
0xb2: {  	s25 =	simm.s32 $0x1A500;
	[sflag:s16] =	ssyncadd.s32 $0xFFFFD800  }
0xb3: {  	[spmem:s2] =	stream.indirect.scatter.add.f32 [tilespmem:s11], [sflag:$0x4], $0x80, s25, s9, $0xb8;
	[tilespmem:$0x1F780] =	vst v63  }
0xb4: {  	_ =	swait.ge [sflag:s22], $0x2800  }
0xb5: {  	[sflag:s22] =	ssyncset.done $0x0  }
0xb6: {  	[sflag:s22] =	ssyncadd.s32 $0xFFFFD800  }
0xb7: {  	[tilespmem:s11], [sflag:$0x2] =	stream.indirect.gather [hbm4b:s1+s9], $0x80, s23, s9, $0xb8;
	[tilespmem:$0x1F780] =	vst v63  }
0xb8: {  	_ =	swait.ge [sflag:s12], $0x2800  }
0xb9: {  	[sflag:s12] =	ssyncset.done $0x0  }
0xba: {  	s28 =	simm.s32 $0x1A580;
	[sflag:s12] =	ssyncadd.s32 $0xFFFFD800  }
0xbb: {  	[spmem:s2] =	stream.indirect.scatter.add.f32 [tilespmem:s15], [sflag:$0x3], $0x80, s28, s9, $0xb8;
	[tilespmem:$0x1F780] =	vst v63  }
0xbc: {  	_ =	swait.ge [sflag:s13], $0x2800  }
0xbd: {  	[sflag:s13] =	ssyncset.done $0x0  }
0xbe: {  	[sflag:s13] =	ssyncadd.s32 $0xFFFFD800  }
0xbf: {  	_ =	swait.ge [sflag:s16], $0x2800  }
0xc0: {  	s29 =	sshll.u32 s3, $0x6;
	s26 =	sadd.s32 $0x1, s26;
	[sflag:s16] =	ssyncset.done $0x0  }
0xc1: {  	s24 =	sor.u32 $0x1C05, s29;
	p2 =	sne.s32 s26, s8;
	[sflag:s16] =	ssyncadd.s32 $0xFFFFD800  }
.Ltmp6:
0xc2: {  	s25 =	sshrl.u32 s7, $0x3;
	[bflag:$0x0] =	sbarrier.arrive $0xFFFF;
	(pc) =	sbr.rel @p2 .LBB2_1-.Ltmp6, $4  }
0xc3: {  	[hbm:s18], [sflag:s24] =	dma.local [spmem:s25], $0x2800  }
0xc4: {  	_ =	swait.ge [sflag:s31], $0x2800  }
0xc5: {  	[sflag:s31] =	ssyncset.done $0x0  }
0xc6: {  	[sflag:s31] =	ssyncadd.s32 $0xFFFFD800  }
0xc7: {  	_ =	sfence.sel $0x180000  }
0xc8: {  	[bflag:$0x0] =	sbarrier.arrive $0xFFFF  }
0xc9: {  	_ =	strace $0x9000004A  }
0xca: {  	[bflag:$0x2] =	sbarrier.arrive $0xFFFF  }
0xcb: {  	p0 =	sne.s32 s3, $0x0;
	s0 =	rddreg [dreg:$0x3]  }
0xcc: {  	s0 =	sadd.s32 @!p0 $0x100000, s0  }
0xcd: {  	[sflag:s0] =	ssyncadd.tile.s32 @!p0 $0x1;
	_ =	shalt  }
.Lfunc_end2:
_tile_overlayer_lowered:
.L_overlay_start_2:
0xce: {  	(tag) =	ssettag $0x2  }
0xcf: {  	s0 =	rddreg [dreg:$0x0];
	s2 =	stileid.u32  }
0xd0: {  	s1 =	rddreg [dreg:$0x1];
	p0 =	sne.s32 s2, $0x0  }
0xd1: {  	s3 =	rddreg [dreg:$0x2];
	[bflag:$0x3] =	sbarrier.arrive $0xFFFF;
	s2 =	simm.s32 @!p0 $0x1C05  }
0xd2: {  	[timem:s3], [sflag:s2] =	dma.local @!p0 [hbm:s0], s1  }
0xd3: {  	s0 =	simm.s32 @!p0 $0x5  }
0xd4: {  	_ =	swait.ge @!p0 [sflag:s0], s1  }
0xd5: {  	s1 =	ssub.s32 @!p0 $0x0, s1;
	[sflag:s0] =	ssyncset.done @!p0 $0x0  }
0xd6: {  	[sflag:s0] =	ssyncadd.s32 @!p0 s1  }
0xd7: {  	[bflag:$0x3] =	sbarrier.arrive $0xFFFF  }
0xd8: {  	_ =	shalt  }

// kernel: kernel.14.cloned.1.call-start
scs
__scs_entry_jumppad:
0x0: {  	(pc) =	sbr.rel $0x88, $3  }
0x1: {  	(tag) =	ssettag $0x0;
	lr =	simm.s32 $0x1  }
0x2: {  	[smem:$0x3F9D] =	sst lr;
	_ =	strace $0xD0000000  }
0x3: {  	_ = 	snop  }
0x4: {  	_ = 	snop  }
0x5: {  	_ = 	snop  }
0x6: {  	_ = 	snop  }
0x7: {  	_ = 	snop  }
__scs_overlays_trampoline_lowered:
0x8: {  	[smem:$0x3FAC] =	sst s0  }
0x9: {  	[smem:$0x3FAD] =	sst s1  }
0xa: {  	[smem:$0x3FAE] =	sst s2  }
0xb: {  	[smem:$0x3FAF] =	sst s3  }
0xc: {  	[smem:$0x3FB0] =	sst s4  }
0xd: {  	[smem:$0x3FB1] =	sst s5  }
0xe: {  	[smem:$0x3FB2] =	sst s6  }
0xf: {  	[smem:$0x3FB3] =	sst s7  }
0x10: {  	[smem:$0x3FB4] =	sst s8  }
0x11: {  	[smem:$0x3FB5] =	sst s9;
	s0 =	simm.s32 @!p0 $0x0  }
0x12: {  	s1 =	sld [smem:$0x3F9B];
	s0 =	simm.s32 @p0 $0x1  }
0x13: {  	[smem:$0x3FB6] =	sst s0;
	s0 =	simm.s32 @!p1 $0x0  }
0x14: {  	s2 =	sld [smem:$0x3F9A];
	s0 =	simm.s32 @p1 $0x1  }
0x15: {  	[smem:$0x3FB7] =	sst s0;
	s0 =	simm.s32 @!p2 $0x0  }
0x16: {  	s3 =	sld [smem:$0x3FDB];
	s0 =	simm.s32 @p2 $0x1  }
0x17: {  	s4 =	simm.s32 $0x1BF5;
	[smem:$0x3FB9] =	sst s0  }
0x18: {  	s0 =	sld [smem:$0x3F9C];
	_ =	swait.ge [sflag:s4], $0x0  }
0x19: {  	s7 =	sld [smem:$0x3F9D]  }
0x1a: {  	s8 =	sadd.s32 $0xFFFFE003, lr  }
0x1b: {  	s9 =	sadd.s32 $0xFFFFFEF7, lr;
	s5 =	simm.s32 $0xFFFFFFFF;
	p2 =	slt.u32 s8, $0xFFFFF086  }
0x1c: {  	p1 =	slt.u32 s9, $0xF7A;
	s5 =	simm.s32 @!p2 $0x0  }
0x1d: {  	s5 =	simm.s32 @p1 $0x1;
	p0 =	seq.s32 s7, s2  }
0x1e: {  	s7 =	smul.u32 @!p0 $0xF7A, s2;
	p2 =	seq.s32 @!p0 s5, $0x0  }
0x1f: {  	s9 =	smul.u32 $0xF7A, s1;
	s8 =	simm.s32 @!p0 $0x1BF5;
	p2 =	por !p2, p0  }
0x20: {  	[sflag:s8] =	ssyncset.s32 @!p0 $0xFFFFF086;
	s6 =	sadd.s32 @!p0 s3, s7;
	s7 =	simm.s32 @!p0 $0x108  }
0x21: {  	s3 =	sadd.s32 s3, s9;
	s6 =	sadd.s32 @!p0 $0x88, s6;
	s7 =	simm.s32 @p2 $0x1082  }
0x22: {  	[simem:s7], [sflag:s8] =	dma.local @!p0 [hbm:s6], $0xF7A  }
0x23: {  	s9 =	sor.u32 $0xD0000000, s2;
	s6 =	simm.s32 $0x108;
	_ =	swait.ge @!p0 [sflag:s8], $0x0  }
0x24: {  	s3 =	sadd.s32 $0x88, s3;
	s6 =	simm.s32 @!p1 $0x1082;
	[sflag:s4] =	ssyncset.s32 $0xFFFFF086  }
0x25: {  	[simem:s6], [sflag:s4] =	dma.local [hbm:s3], $0xF7A  }
0x26: {  	[smem:$0x3F9D] =	sst s1;
	(tag) =	ssettag s2;
	_ =	strace s9  }
0x27: {  	s1 =	sld [smem:$0x3FAD]  }
0x28: {  	s2 =	sld [smem:$0x3FAE]  }
0x29: {  	s4 =	sld [smem:$0x3FB0]  }
0x2a: {  	p0 =	seq.s32 s5, $0x0;
	s5 =	sld [smem:$0x3FB1]  }
0x2b: {  	s6 =	sld [smem:$0x3FB2]  }
0x2c: {  	s7 =	sld [smem:$0x3FB3]  }
0x2d: {  	s3 =	simm.s32 $0x108;
	s8 =	sld [smem:$0x3FB4]  }
0x2e: {  	s3 =	simm.s32 @!p0 $0x1082;
	s9 =	sld [smem:$0x3FB5]  }
0x2f: {  	lr =	sadd.s32 s0, s3;
	s0 =	sld [smem:$0x3FAC]  }
0x30: {  	s3 =	sld [smem:$0x3FAF]  }
0x31: {  	[smem:$0x3FB8] =	sst s10  }
0x32: {  	s10 =	sld [smem:$0x3FB6];
	_ =	sdelay $0x3  }
0x33: {  	p0 =	seq.s32 s10, $0x1;
	s10 =	sld [smem:$0x3FB8];
	_ =	sdelay $0x3  }
0x34: {  	[smem:$0x3FB8] =	sst s10  }
0x35: {  	s10 =	sld [smem:$0x3FB7];
	_ =	sdelay $0x3  }
0x36: {  	p1 =	seq.s32 s10, $0x1;
	s10 =	sld [smem:$0x3FB8];
	_ =	sdelay $0x3  }
0x37: {  	[smem:$0x3FB8] =	sst s10  }
0x38: {  	s10 =	sld [smem:$0x3FB9]  }
0x39: {  	_ = 	snop;
	(pc) =	sbr.ind lr, $3  }
0x3a: {  	_ = 	snop  }
0x3b: {  	_ = 	snop  }
0x3c: {  	p2 =	seq.s32 s10, $0x1;
	s10 =	sld [smem:$0x3FB8]  }
0x3d: {  	_ =	shalt  }
0x3e: {  	_ =	shalt  }
0x3f: {  	_ =	shalt  }
0x40: {  	_ =	shalt  }
0x41: {  	_ =	shalt  }
0x42: {  	_ =	shalt  }
0x43: {  	_ =	shalt  }
0x44: {  	_ =	shalt  }
0x45: {  	_ =	shalt  }
0x46: {  	_ =	shalt  }
0x47: {  	_ =	shalt  }
0x48: {  	_ =	shalt  }
0x49: {  	_ =	shalt  }
0x4a: {  	_ =	shalt  }
0x4b: {  	_ =	shalt  }
0x4c: {  	_ =	shalt  }
0x4d: {  	_ =	shalt  }
0x4e: {  	_ =	shalt  }
0x4f: {  	_ =	shalt  }
0x50: {  	_ =	shalt  }
0x51: {  	_ =	shalt  }
0x52: {  	_ =	shalt  }
0x53: {  	_ =	shalt  }
0x54: {  	_ =	shalt  }
0x55: {  	_ =	shalt  }
0x56: {  	_ =	shalt  }
0x57: {  	_ =	shalt  }
0x58: {  	_ =	shalt  }
0x59: {  	_ =	shalt  }
0x5a: {  	_ =	shalt  }
0x5b: {  	_ =	shalt  }
0x5c: {  	_ =	shalt  }
0x5d: {  	_ =	shalt  }
0x5e: {  	_ =	shalt  }
0x5f: {  	_ =	shalt  }
0x60: {  	_ =	shalt  }
0x61: {  	_ =	shalt  }
0x62: {  	_ =	shalt  }
0x63: {  	_ =	shalt  }
0x64: {  	_ =	shalt  }
0x65: {  	_ =	shalt  }
0x66: {  	_ =	shalt  }
0x67: {  	_ =	shalt  }
0x68: {  	_ =	shalt  }
0x69: {  	_ =	shalt  }
0x6a: {  	_ =	shalt  }
0x6b: {  	_ =	shalt  }
0x6c: {  	_ =	shalt  }
0x6d: {  	_ =	shalt  }
0x6e: {  	_ =	shalt  }
0x6f: {  	_ =	shalt  }
0x70: {  	_ =	shalt  }
0x71: {  	_ =	shalt  }
0x72: {  	_ =	shalt  }
0x73: {  	_ =	shalt  }
0x74: {  	_ =	shalt  }
0x75: {  	_ =	shalt  }
0x76: {  	_ =	shalt  }
0x77: {  	_ =	shalt  }
0x78: {  	_ =	shalt  }
0x79: {  	_ =	shalt  }
0x7a: {  	_ =	shalt  }
0x7b: {  	_ =	shalt  }
0x7c: {  	_ =	shalt  }
0x7d: {  	_ =	shalt  }
0x7e: {  	_ =	shalt  }
0x7f: {  	_ =	shalt  }
0x80: {  	_ =	shalt  }
0x81: {  	_ =	shalt  }
0x82: {  	_ =	shalt  }
0x83: {  	_ =	shalt  }
0x84: {  	_ =	shalt  }
0x85: {  	_ =	shalt  }
0x86: {  	_ =	shalt  }
0x87: {  	_ =	shalt  }
.Lfunc_end0:
.L_simem_size_0:
called_computation.2_lowered:
.L_overlay_start_0:
0x88: {  	s2 =	sld [smem:$0x3FD9]  }
0x89: {  	s3 =	sld [smem:$0x3FFE];
	_ =	sdelay $0x1  }
0x8a: {  	s1 =	srdreg.scid  }
0x8b: {  	s0 =	sand.u32 $0x1, s1  }
0x8c: {  	s17 =	sshll.u32 s0, $0xA;
	s2 =	sadd.s32 s3, s2  }
0x8d: {  	s2 =	sadd.s32 s2, s17  }
0x8e: {  	[smem:$0x3FC4] =	sst s2  }
0x8f: {  	_ = 	snop  }
0x90: {  	s2 =	sld [smem:$0x3FD0];
	(tm) =	ssettm $0x1  }
0x91: {  	s18 =	sld [smem:$0x3FFB];
	_ =	sdelay $0x3  }
0x92: {  	_ =	strace s18  }
0x93: {  	s3 =	sld [smem:$0x3FFC];
	_ =	sdelay $0x3  }
0x94: {  	_ =	strace s3  }
0x95: {  	s3 =	sld [smem:$0x3FFD];
	_ =	sdelay $0x3  }
0x96: {  	_ =	strace s3  }
0x97: {  	_ =	strace $0x8FFFFFFF  }
0x98: {  	s19 =	sld [smem:$0x3FDB];
	_ =	sdelay $0x1  }
0x99: {  	s4 =	simm.s32 $_scs_section_size  }
0x9a: {  	s5 =	simm.s32 $_size__tile_overlayer_lowered;
	s6 =	simm.s32 $_tile_overlayer_lowered  }
0x9b: {  	s22 =	simm.s32 $0x1BFF;
	s21 =	sshll.u32 s6, $0x1;
	s3 =	sadd.s32 s4, s19  }
0x9c: {  	s7 =	simm.s32 $0x0;
	s20 =	sshll.u32 s5, $0x1;
	s5 =	sadd.s32 s21, s3  }
0x9d: {  	[timem:s7], [sflag:s22] =	dma.local [hbm:s5], s20  }
0x9e: {  	_ =	swait.ge [sflag:s22], s20  }
0x9f: {  	s4 =	ssub.s32 $0x0, s20;
	[sflag:s22] =	ssyncset.done $0x0  }
0xa0: {  	[sflag:s22] =	ssyncadd.s32 s4;
	_ =	sdelay $0x1  }
0xa1: {  	s23 =	simm.s32 $0x1B8B  }
0xa2: {  	_ =	swait.ge [sflag:s23], $0x1  }
0xa3: {  	[sflag:s23] =	ssyncset.done $0x0  }
0xa4: {  	s25 =	simm.s32 $0x1B8E;
	s24 =	sld [smem:$0x3FFE];
	[sflag:s23] =	ssyncadd.s32 $0xFFFFFFFF  }
0xa5: {  	s26 =	simm.s32 $execute0_lowered;
	[smem:$0x3FD2] =	sst s25  }
0xa6: {  	s5 =	sshll.u32 s26, $0x1;
	_ =	strace $0x8000004C;
	[dreg:$0x1] =	wrdreg $0xFFFFFFFF  }
0xa7: {  	s28 =	simm.s32 $_size_execute0_lowered;
	s3 =	sadd.s32 s3, s5;
	[dreg:$0x0] =	wrdreg $0x0  }
0xa8: {  	s5 =	sshll.u32 s28, $0x1;
	[dreg:$0x2] =	wrdreg s3  }
0xa9: {  	[dreg:$0x3] =	wrdreg s5  }
0xaa: {  	[dreg:$0x4] =	wrdreg $0xC0  }
0xab: {  	_ =	task [dreg:s7], $0x5FFFF  }
0xac: {  	[dreg:$0x1] =	wrdreg $0xFFFFFFFF  }
0xad: {  	[dreg:$0x0] =	wrdreg $0x60  }
0xae: {  	[dreg:$0x2] =	wrdreg s2  }
0xaf: {  	[dreg:$0x3] =	wrdreg s24  }
0xb0: {  	[dreg:$0x4] =	wrdreg $0x0  }
0xb1: {  	[dreg:$0x5] =	wrdreg $0x9  }
0xb2: {  	_ =	task.clear_ibuf [dreg:s7], $0x6FFFF;
	_ =	strace $0x9000004C  }
0xb3: {  	s29 =	simm.s32 $0x9;
	_ =	strace $0x8000004E  }
0xb4: {  	_ =	swait.ge [sflag:s29], $0x1  }
0xb5: {  	[sflag:s29] =	ssyncadd.s32 $0xFFFFFFFF  }
0xb6: {  	_ =	strace $0x9000004E  }
0xb7: {  	_ =	sfence  }
0xb8: {  	s30 =	sld [smem:$0x0];
	_ =	sdelay $0x2  }
0xb9: {  	s31 =	sshll.u32 s1, $0xD;
	s1 =	sshrl.u32 s1, $0x2  }
0xba: {  	s3 =	sand.u32 $0x4000, s31;
	s1 =	sadd.s32 s1, s30  }
0xbb: {  	s0 =	sor.u32 s3, s0;
	s1 =	sshll.u32 s1, $0x11  }
0xbc: {  	s0 =	sor.u32 s1, s0  }
0xbd: {  	s0 =	sadd.s32 $0x8F2B, s0  }
0xbe: {  	[sflag:s0] =	ssyncadd.remote.s32 $0x1  }
0xbf: {  	_ =	sfence.sel $0xFFFF  }
0xc0: {  	[dreg:$0x0] =	wrdreg $0xFFFFFFFF;
	(pc) =	sbr.abs _section_cstart, $3  }
0xc1: {  	[dreg:$0x1] =	wrdreg $0xFFFFFFFF  }
0xc2: {  	_ =	task.clear_ibuf [dreg:s7], $0x2FFFF;
	_ =	strace $0x9FFFFFFF  }
0xc3: {  	(tm) =	ssettm $0x7FFFFFFF  }
tec
execute0_lowered:
.L_overlay_start_1:
0x0: {  	(tag) =	ssettag $0x1  }
0x1: {  	s1 =	rddreg [dreg:$0x0]  }
0x2: {  	s0 =	rddreg [dreg:$0x1]  }
0x3: {  	s2 =	rddreg [dreg:$0x2];
	s3 =	srdreg.scid;
	s4 =	simm.s32 $0x0  }
0x4: {  	s30 =	simm.s32 $0x14000;
	s31 =	simm.s32 $0x5;
	s7 =	sand.u32 $0x1, s3  }
0x5: {  	s3 =	stileid.u32;
	[smem:$0x7FF] =	sst s4;
	s5 =	sshll.u32 s7, $0x4  }
0x6: {  	_ =	strace $0x8000004D;
	s8 =	smul.u32 $0x28000, s7;
	s9 =	ssub.s32 $0x2, s7  }
0x7: {  	s17 =	smul.u32 $0x50000, s3;
	p0 =	seq.s32 s7, $0x1;
	p1 =	seq.s32 s3, $0xF  }
0x8: {  	s5 =	sor.u32 s3, s5;
	s15 =	sshrl.u32 s9, $0x1;
	p1 =	por p1, p0  }
0x9: {  	s6 =	smul.u32 $0x4E2, s5;
	s5 =	sshll.u32 s5, $0xB;
	s16 =	ssub.s32 s9, s15  }
0xa: {  	s18 =	sshrl.u32 s17, $0x2;
	s9 =	smul.u32 $0x2800, s3;
	s10 =	sadd.s32 s5, s0  }
0xb: {  	s7 =	sadd.s32 s18, s2;
	s14 =	sadd.s32 s6, s0;
	s0 =	sadd.s32 s8, s0  }
0xc: {  	s6 =	sadd.s32 $0xB800, s10;
	s10 =	smul.u32 $0x280, s3;
	s12 =	sadd.s32 s1, s9  }
0xd: {  	s8 =	smax.u32 s16, $0x1;
	s29 =	sadd.s32 $0x2800, s7;
	[dreg:$0x4] =	wrdreg s12  }
0xe: {  	s5 =	sadd.s32 $0x1A00, s14;
	s0 =	sadd.s32 $0x1B800, s0;
	[dreg:$0xa] =	wrdreg s29  }
0xf: {  	s29 =	sadd.s32 $0xA000, s7;
	s11 =	sor.u32 $0x50, s10;
	s13 =	sadd.s32 $0xA0, s10  }
0x10: {  	s21 =	sadd.s32 $0xF0, s10;
	s15 =	sadd.s32 $0x140, s10;
	s24 =	sadd.s32 $0x190, s10  }
0x11: {  	s18 =	sadd.s32 $0x1E0, s10;
	s10 =	sadd.s32 $0x230, s10;
	[dreg:$0x11] =	wrdreg s29  }
0x12: {  	s19 =	sshll.u32 s11, $0x7;
	s11 =	sshll.u32 s11, $0x4;
	s20 =	sshll.u32 s13, $0x7  }
0x13: {  	s13 =	sshll.u32 s13, $0x4;
	s14 =	sshll.u32 s21, $0x7;
	s22 =	sshll.u32 s15, $0x7  }
0x14: {  	s23 =	sshll.u32 s15, $0x4;
	s25 =	sshll.u32 s24, $0x7;
	s17 =	sshll.u32 s24, $0x4  }
0x15: {  	s28 =	sshll.u32 s18, $0x7;
	s15 =	simm.s32 $0x1A780;
	s12 =	sadd.s32 s19, s2  }
0x16: {  	s11 =	sadd.s32 s1, s11;
	s13 =	sadd.s32 s1, s13;
	s16 =	sadd.s32 s14, s2  }
0x17: {  	s14 =	sadd.s32 s1, s23;
	s26 =	sadd.s32 s1, s17;
	s17 =	sadd.s32 s28, s2  }
0x18: {  	s19 =	sshll.u32 s18, $0x4;
	s18 =	sadd.s32 s9, s0;
	[dreg:$0x5] =	wrdreg s11  }
0x19: {  	s28 =	sadd.s32 $0x7800, s7;
	s0 =	simm.s32 $0x16780;
	[dreg:$0x6] =	wrdreg s13  }
0x1a: {  	s9 =	simm.s32 $0x50;
	s11 =	sadd.s32 s20, s2;
	[dreg:$0x8] =	wrdreg s14  }
0x1b: {  	s13 =	sshll.u32 s21, $0x4;
	s14 =	sadd.s32 s25, s2;
	[dreg:$0x9] =	wrdreg s26  }
0x1c: {  	s20 =	sshll.u32 s10, $0x7;
	s19 =	sadd.s32 s1, s19;
	s21 =	sshll.u32 s10, $0x4  }
0x1d: {  	s24 =	sshrl.u32 s16, $0x3;
	s26 =	sadd.s32 $0x5000, s7;
	[dreg:$0x10] =	wrdreg s28  }
0x1e: {  	s16 =	simm.s32 $0x2;
	s10 =	simm.s32 $0x6;
	s13 =	sadd.s32 s1, s13  }
0x1f: {  	s20 =	sadd.s32 s20, s2;
	s21 =	sadd.s32 s1, s21;
	[dreg:$0xd] =	wrdreg s24  }
0x20: {  	s23 =	sshrl.u32 s11, $0x3;
	[dreg:$0xf] =	wrdreg s26;
	s11 =	simm.s32 $0x1CF80  }
0x21: {  	s26 =	simm.s32 $0x0;
	[dreg:$0x7] =	wrdreg s13;
	s13 =	sadd.s32 s22, s2  }
0x22: {  	s22 =	sshrl.u32 s12, $0x3;
	[dreg:$0xc] =	wrdreg s23;
	s12 =	simm.s32 $0x1  }
0x23: {  	s23 =	simm.s32 $0x166C0;
	[dreg:$0xb] =	wrdreg s22;
	s25 =	sshrl.u32 s13, $0x3  }
0x24: {  	v0 =	vimm.f32 $0.0e+00;
	s13 =	simm.s32 $0x3;
	s22 =	simm.s32 $0x4;
	[dreg:$0xe] =	wrdreg s25  }
.LBB2_1:
0x25: {  	[tilespmem:s30], [sflag:$0x5] =	stream.linear.gather [hbm4b:s5+s4], $0x2710, $0x38;
	[tilespmem:$0x1F780] =	vst v63  }
0x26: {  	_ =	swait.ge [sflag:s31], $0x2710  }
0x27: {  	[sflag:s31] =	ssyncset.done $0x0  }
0x28: {  	[sflag:s31] =	ssyncadd.s32 $0xFFFFD8F0  }
0x29: {  	[tilespmem:s0], [sflag:$0x5] =	stream.linear.gather [hbm4b:s6+s4], $0x3E80, $0x38;
	[tilespmem:$0x1F780] =	vst v63  }
0x2a: {  	_ =	swait.ge [sflag:s31], $0x3E80  }
0x2b: {  	[sflag:s31] =	ssyncset.done $0x0  }
0x2c: {  	s28 =	simm.s32 $0x70;
	s29 =	simm.s32 $0x3C0;
	[sflag:s31] =	ssyncadd.s32 $0xFFFFC180  }
.LBB2_2:
0x2d: {  	p2 =	sne.s32 s29, $0x9FC0;
	[tilespmem:s28+$0x1A780] =	vst v0  }
0x2e: {  	[tilespmem:s28+$0x1A710] =	vst v0  }
0x2f: {  	[tilespmem:s28+$0x1A720] =	vst v0  }
.Ltmp0:
0x30: {  	[tilespmem:s28+$0x1A730] =	vst v0;
	(pc) =	sbr.rel @p2 .LBB2_2-.Ltmp0, $4  }
0x31: {  	[tilespmem:s28+$0x1A740] =	vst v0  }
0x32: {  	[tilespmem:s28+$0x1A750] =	vst v0  }
0x33: {  	[tilespmem:s28+$0x1A760] =	vst v0  }
0x34: {  	[tilespmem:s28+$0x1A770] =	vst v0;
	s28 =	sshra.s32 s29, $0x2;
	s29 =	sadd.s32 $0x200, s29  }
0x35: {  	[tilespmem:s28+$0x1A780] =	vst v0  }
0x36: {  	[tilespmem:s28+$0x1A710] =	vst v0  }
0x37: {  	[tilespmem:s28+$0x1A720] =	vst v0  }
.Ltmp1:
0x38: {  	[tilespmem:s28+$0x1A730] =	vst v0;
	(pc) =	sbr.rel @!p0 .LBB2_6-.Ltmp1, $4  }
0x39: {  	[tilespmem:s28+$0x1A740] =	vst v0  }
0x3a: {  	[tilespmem:s28+$0x1A750] =	vst v0  }
0x3b: {  	[tilespmem:s28+$0x1A760] =	vst v0  }
0x3c: {  	[tilespmem:s28+$0x1A770] =	vst v0  }
0x3d: {  	[spmem:s7] =	stream.linear.scatter [tilespmem:s15], [sflag:$0x5], $0x2800, $0x38;
	[tilespmem:$0x1F780] =	vst v63  }
0x3e: {  	_ =	swait.ge [sflag:s31], $0x2800  }
0x3f: {  	[sflag:s31] =	ssyncset.done $0x0  }
0x40: {  	s24 =	rddreg [dreg:$0xa];
	[sflag:s31] =	ssyncadd.s32 $0xFFFFD800  }
0x41: {  	[spmem:s24] =	stream.linear.scatter [tilespmem:s15], [sflag:$0x5], $0x2800, $0x38;
	[tilespmem:$0x1F780] =	vst v63  }
0x42: {  	_ =	swait.ge [sflag:s31], $0x2800  }
0x43: {  	[sflag:s31] =	ssyncset.done $0x0  }
0x44: {  	s25 =	rddreg [dreg:$0xf];
	[sflag:s31] =	ssyncadd.s32 $0xFFFFD800  }
0x45: {  	[spmem:s25] =	stream.linear.scatter [tilespmem:s15], [sflag:$0x5], $0x2800, $0x38;
	[tilespmem:$0x1F780] =	vst v63  }
0x46: {  	_ =	swait.ge [sflag:s31], $0x2800  }
0x47: {  	[sflag:s31] =	ssyncset.done $0x0  }
0x48: {  	s28 =	rddreg [dreg:$0x10];
	[sflag:s31] =	ssyncadd.s32 $0xFFFFD800  }
0x49: {  	[spmem:s28] =	stream.linear.scatter [tilespmem:s15], [sflag:$0x5], $0x2800, $0x38;
	[tilespmem:$0x1F780] =	vst v63  }
0x4a: {  	_ =	swait.ge [sflag:s31], $0x2800  }
0x4b: {  	[sflag:s31] =	ssyncset.done $0x0  }
.Ltmp2:
0x4c: {  	s29 =	rddreg [dreg:$0x11];
	[sflag:s31] =	ssyncadd.s32 $0xFFFFD800;
	(pc) =	sbr.rel .LBB2_5-.Ltmp2, $4  }
0x4d: {  	[spmem:s29] =	stream.linear.scatter [tilespmem:s15], [sflag:$0x5], $0x2800, $0x38;
	[tilespmem:$0x1F780] =	vst v63  }
0x4e: {  	_ =	swait.ge [sflag:s31], $0x2800  }
0x4f: {  	[sflag:s31] =	ssyncset.done $0x0  }
0x50: {  	[sflag:s31] =	ssyncadd.s32 $0xFFFFD800  }
.LBB2_6:
0x51: {  	s24 =	sshll.u32 s3, $0x6  }
0x52: {  	s29 =	sshrl.u32 s7, $0x3;
	s25 =	rddreg [dreg:$0x4];
	s28 =	sor.u32 $0x1C06, s24  }
0x53: {  	[spmem:s29], [sflag:s28] =	dma.local [hbm:s25], $0x500  }
0x54: {  	_ =	swait.ge [sflag:s10], $0x500  }
0x55: {  	[sflag:s10] =	ssyncset.done $0x0;
	s25 =	rddreg [dreg:$0x5]  }
0x56: {  	s29 =	rddreg [dreg:$0xb];
	[sflag:s10] =	ssyncadd.s32 $0xFFFFFB00  }
0x57: {  	[spmem:s29], [sflag:s28] =	dma.local [hbm:s25], $0x500  }
0x58: {  	_ =	swait.ge [sflag:s10], $0x500  }
0x59: {  	[sflag:s10] =	ssyncset.done $0x0;
	s25 =	rddreg [dreg:$0x6]  }
0x5a: {  	s29 =	rddreg [dreg:$0xc];
	[sflag:s10] =	ssyncadd.s32 $0xFFFFFB00  }
0x5b: {  	[spmem:s29], [sflag:s28] =	dma.local [hbm:s25], $0x500  }
0x5c: {  	_ =	swait.ge [sflag:s10], $0x500  }
0x5d: {  	[sflag:s10] =	ssyncset.done $0x0;
	s25 =	rddreg [dreg:$0x7]  }
0x5e: {  	s29 =	rddreg [dreg:$0xd];
	[sflag:s10] =	ssyncadd.s32 $0xFFFFFB00  }
0x5f: {  	[spmem:s29], [sflag:s28] =	dma.local [hbm:s25], $0x500  }
0x60: {  	_ =	swait.ge [sflag:s10], $0x500  }
0x61: {  	[sflag:s10] =	ssyncset.done $0x0;
	s25 =	rddreg [dreg:$0x8]  }
.Ltmp3:
0x62: {  	s29 =	rddreg [dreg:$0xe];
	[sflag:s10] =	ssyncadd.s32 $0xFFFFFB00;
	(pc) =	sbr.rel @!p1 .LBB2_7-.Ltmp3, $4  }
0x63: {  	[spmem:s29], [sflag:s28] =	dma.local [hbm:s25], $0x500  }
0x64: {  	_ =	swait.ge [sflag:s10], $0x500  }
0x65: {  	[sflag:s10] =	ssyncset.done $0x0  }
0x66: {  	[sflag:s10] =	ssyncadd.s32 $0xFFFFFB00  }
.LBB2_5:
.Ltmp4:
0x67: {  	(pc) =	sbr.rel .LBB2_8-.Ltmp4, $4  }
0x68: {  	[spmem:s14] =	stream.linear.scatter [tilespmem:s15], [sflag:$0x5], $0x2800, $0x38;
	[tilespmem:$0x1F780] =	vst v63  }
0x69: {  	_ =	swait.ge [sflag:s31], $0x2800  }
0x6a: {  	[sflag:s31] =	ssyncset.done $0x0  }
0x6b: {  	[sflag:s31] =	ssyncadd.s32 $0xFFFFD800  }
.LBB2_7:
0x6c: {  	s24 =	sshrl.u32 s14, $0x3;
	s25 =	rddreg [dreg:$0x9]  }
0x6d: {  	[spmem:s24], [sflag:s28] =	dma.local [hbm:s25], $0x500  }
0x6e: {  	_ =	swait.ge [sflag:s10], $0x500  }
0x6f: {  	[sflag:s10] =	ssyncset.done $0x0  }
0x70: {  	[sflag:s10] =	ssyncadd.s32 $0xFFFFFB00  }
.LBB2_8:
0x71: {  	s24 =	simm.s32 @p1 $0x1A780;
	s28 =	simm.s32 @p1 $0x5  }
0x72: {  	[spmem:s17] =	stream.linear.scatter @p1 [tilespmem:s24], [sflag:$0x5], $0x2800, $0x38;
	[tilespmem:$0x1F780] =	vst v63  }
0x73: {  	_ =	swait.ge @p1 [sflag:s28], $0x2800  }
0x74: {  	s29 =	sshll.u32 @!p1 s3, $0x6;
	[sflag:s28] =	ssyncset.done @p1 $0x0  }
0x75: {  	s25 =	sshrl.u32 @!p1 s17, $0x3;
	s29 =	sor.u32 @!p1 $0x1C06, s29;
	[sflag:s28] =	ssyncadd.s32 @p1 $0xFFFFD800  }
0x76: {  	[spmem:s25], [sflag:s29] =	dma.local @!p1 [hbm:s19], $0x500  }
0x77: {  	s25 =	simm.s32 @!p1 $0x6  }
0x78: {  	_ =	swait.ge @!p1 [sflag:s25], $0x500  }
0x79: {  	[sflag:s25] =	ssyncset.done @!p1 $0x0  }
0x7a: {  	[sflag:s25] =	ssyncadd.s32 @!p1 $0xFFFFFB00  }
0x7b: {  	[spmem:s20] =	stream.linear.scatter @p1 [tilespmem:s24], [sflag:$0x5], $0x2800, $0x38;
	[tilespmem:$0x1F780] =	vst v63  }
0x7c: {  	_ =	swait.ge @p1 [sflag:s28], $0x2800  }
0x7d: {  	[sflag:s28] =	ssyncset.done @p1 $0x0  }
0x7e: {  	s24 =	sshrl.u32 @!p1 s20, $0x3;
	[sflag:s28] =	ssyncadd.s32 @p1 $0xFFFFD800  }
0x7f: {  	[spmem:s24], [sflag:s29] =	dma.local @!p1 [hbm:s21], $0x500  }
0x80: {  	_ =	swait.ge @!p1 [sflag:s25], $0x500  }
0x81: {  	[sflag:s25] =	ssyncset.done @!p1 $0x0  }
0x82: {  	[sflag:s25] =	ssyncadd.s32 @!p1 $0xFFFFFB00  }
0x83: {  	[bflag:$0x0] =	sbarrier.arrive $0xFFFF  }
0x84: {  	[tilespmem:s15], [sflag:$0x1] =	stream.indirect.gather [hbm4b:s1+s9], $0x80, s30, s9, $0xb8;
	[tilespmem:$0x1F780] =	vst v63  }
0x85: {  	s25 =	simm.s32 $0x14050  }
0x86: {  	[tilespmem:s11], [sflag:$0x2] =	stream.indirect.gather [hbm4b:s1+s9], $0x80, s25, s9, $0xb8;
	[tilespmem:$0x1F780] =	vst v63  }
0x87: {  	_ =	swait.ge [sflag:s12], $0x2800  }
0x88: {  	[sflag:s12] =	ssyncset.done $0x0  }
0x89: {  	[sflag:s12] =	ssyncadd.s32 $0xFFFFD800  }
0x8a: {  	[spmem:s2] =	stream.indirect.scatter.add.f32 [tilespmem:s15], [sflag:$0x3], $0x80, s0, s9, $0xb8;
	[tilespmem:$0x1F780] =	vst v63  }
0x8b: {  	_ =	swait.ge [sflag:s13], $0x2800  }
0x8c: {  	[sflag:s13] =	ssyncset.done $0x0  }
0x8d: {  	s25 =	simm.s32 $0x140A0;
	[sflag:s13] =	ssyncadd.s32 $0xFFFFD800  }
0x8e: {  	[tilespmem:s15], [sflag:$0x1] =	stream.indirect.gather [hbm4b:s1+s9], $0x80, s25, s9, $0xb8;
	[tilespmem:$0x1F780] =	vst v63  }
0x8f: {  	_ =	swait.ge [sflag:s16], $0x2800  }
0x90: {  	[sflag:s16] =	ssyncset.done $0x0  }
0x91: {  	s25 =	simm.s32 $0x16800;
	[sflag:s16] =	ssyncadd.s32 $0xFFFFD800  }
0x92: {  	[spmem:s2] =	stream.indirect.scatter.add.f32 [tilespmem:s11], [sflag:$0x4], $0x80, s25, s9, $0xb8;
	[tilespmem:$0x1F780] =	vst v63  }
0x93: {  	_ =	swait.ge [sflag:s22], $0x2800  }
0x94: {  	[sflag:s22] =	ssyncset.done $0x0  }
0x95: {  	s25 =	simm.s32 $0x140F0;
	[sflag:s22] =	ssyncadd.s32 $0xFFFFD800  }
0x96: {  	[tilespmem:s11], [sflag:$0x2] =	stream.indirect.gather [hbm4b:s1+s9], $0x80, s25, s9, $0xb8;
	[tilespmem:$0x1F780] =	vst v63  }
0x97: {  	_ =	swait.ge [sflag:s12], $0x2800  }
0x98: {  	s28 =	simm.s32 $0xFFFF1000;
	[sflag:s12] =	ssyncset.done $0x0  }
0x99: {  	s24 =	simm.s32 $0x16880;
	s29 =	simm.s32 $0x14190;
	[sflag:s12] =	ssyncadd.s32 $0xFFFFD800  }
.LBB2_9:
0x9a: {  	[spmem:s2] =	stream.indirect.scatter.add.f32 [tilespmem:s15], [sflag:$0x3], $0x80, s24, s9, $0xb8;
	[tilespmem:$0x1F780] =	vst v63  }
0x9b: {  	s24 =	smov.u32 s28  }
0x9c: {  	p2 =	sne.s32 s28, $0xFFFFFC00;
	s28 =	sadd.s32 $0x400, s28;
	_ =	swait.ge [sflag:s13], $0x2800  }
0x9d: {  	[sflag:s13] =	ssyncset.done $0x0  }
0x9e: {  	s25 =	sadd.s32 $0xFFFFFFB0, s29;
	[sflag:s13] =	ssyncadd.s32 $0xFFFFD800  }
0x9f: {  	[tilespmem:s15], [sflag:$0x1] =	stream.indirect.gather [hbm4b:s1+s9], $0x80, s25, s9, $0xb8;
	[tilespmem:$0x1F780] =	vst v63  }
0xa0: {  	_ =	swait.ge [sflag:s16], $0x2800  }
0xa1: {  	s24 =	sshra.s32 s24, $0x2;
	[sflag:s16] =	ssyncset.done $0x0  }
0xa2: {  	s25 =	sadd.s32 $0x1A500, s24;
	[sflag:s16] =	ssyncadd.s32 $0xFFFFD800  }
0xa3: {  	[spmem:s2] =	stream.indirect.scatter.add.f32 [tilespmem:s11], [sflag:$0x4], $0x80, s25, s9, $0xb8;
	[tilespmem:$0x1F780] =	vst v63  }
0xa4: {  	_ =	swait.ge [sflag:s22], $0x2800  }
0xa5: {  	[sflag:s22] =	ssyncset.done $0x0  }
.Ltmp5:
0xa6: {  	[sflag:s22] =	ssyncadd.s32 $0xFFFFD800;
	(pc) =	sbr.rel @p2 .LBB2_9-.Ltmp5, $4  }
0xa7: {  	[tilespmem:s11], [sflag:$0x2] =	stream.indirect.gather [hbm4b:s1+s9], $0x80, s29, s9, $0xb8;
	[tilespmem:$0x1F780] =	vst v63  }
0xa8: {  	_ =	swait.ge [sflag:s12], $0x2800  }
0xa9: {  	[sflag:s12] =	ssyncset.done $0x0  }
0xaa: {  	s24 =	sadd.s32 $0x1A580, s24;
	s29 =	sadd.s32 $0xA0, s29;
	[sflag:s12] =	ssyncadd.s32 $0xFFFFD800  }
0xab: {  	[spmem:s2] =	stream.indirect.scatter.add.f32 [tilespmem:s15], [sflag:$0x3], $0x80, s24, s9, $0xb8;
	[tilespmem:$0x1F780] =	vst v63  }
0xac: {  	_ =	swait.ge [sflag:s13], $0x2800  }
0xad: {  	[sflag:s13] =	ssyncset.done $0x0  }
0xae: {  	[sflag:s13] =	ssyncadd.s32 $0xFFFFD800  }
0xaf: {  	[tilespmem:s15], [sflag:$0x1] =	stream.indirect.gather [hbm4b:s1+s9], $0x80, s23, s9, $0xb8;
	[tilespmem:$0x1F780] =	vst v63  }
0xb0: {  	_ =	swait.ge [sflag:s16], $0x2800  }
0xb1: {  	[sflag:s16] =	ssyncset.done $0x0  }
0xb2: {  	s25 =	simm.s32 $0x1A500;
	[sflag:s16] =	ssyncadd.s32 $0xFFFFD800  }
0xb3: {  	[spmem:s2] =	stream.indirect.scatter.add.f32 [tilespmem:s11], [sflag:$0x4], $0x80, s25, s9, $0xb8;
	[tilespmem:$0x1F780] =	vst v63  }
0xb4: {  	_ =	swait.ge [sflag:s22], $0x2800  }
0xb5: {  	[sflag:s22] =	ssyncset.done $0x0  }
0xb6: {  	[sflag:s22] =	ssyncadd.s32 $0xFFFFD800  }
0xb7: {  	[tilespmem:s11], [sflag:$0x2] =	stream.indirect.gather [hbm4b:s1+s9], $0x80, s23, s9, $0xb8;
	[tilespmem:$0x1F780] =	vst v63  }
0xb8: {  	_ =	swait.ge [sflag:s12], $0x2800  }
0xb9: {  	[sflag:s12] =	ssyncset.done $0x0  }
0xba: {  	s28 =	simm.s32 $0x1A580;
	[sflag:s12] =	ssyncadd.s32 $0xFFFFD800  }
0xbb: {  	[spmem:s2] =	stream.indirect.scatter.add.f32 [tilespmem:s15], [sflag:$0x3], $0x80, s28, s9, $0xb8;
	[tilespmem:$0x1F780] =	vst v63  }
0xbc: {  	_ =	swait.ge [sflag:s13], $0x2800  }
0xbd: {  	[sflag:s13] =	ssyncset.done $0x0  }
0xbe: {  	[sflag:s13] =	ssyncadd.s32 $0xFFFFD800  }
0xbf: {  	_ =	swait.ge [sflag:s16], $0x2800  }
0xc0: {  	s29 =	sshll.u32 s3, $0x6;
	s26 =	sadd.s32 $0x1, s26;
	[sflag:s16] =	ssyncset.done $0x0  }
0xc1: {  	s24 =	sor.u32 $0x1C05, s29;
	p2 =	sne.s32 s26, s8;
	[sflag:s16] =	ssyncadd.s32 $0xFFFFD800  }
.Ltmp6:
0xc2: {  	s25 =	sshrl.u32 s7, $0x3;
	[bflag:$0x0] =	sbarrier.arrive $0xFFFF;
	(pc) =	sbr.rel @p2 .LBB2_1-.Ltmp6, $4  }
0xc3: {  	[hbm:s18], [sflag:s24] =	dma.local [spmem:s25], $0x2800  }
0xc4: {  	_ =	swait.ge [sflag:s31], $0x2800  }
0xc5: {  	[sflag:s31] =	ssyncset.done $0x0  }
0xc6: {  	[sflag:s31] =	ssyncadd.s32 $0xFFFFD800  }
0xc7: {  	_ =	sfence.sel $0x180000  }
0xc8: {  	[bflag:$0x0] =	sbarrier.arrive $0xFFFF  }
0xc9: {  	_ =	strace $0x9000004D  }
0xca: {  	[bflag:$0x2] =	sbarrier.arrive $0xFFFF  }
0xcb: {  	p0 =	sne.s32 s3, $0x0;
	s0 =	rddreg [dreg:$0x3]  }
0xcc: {  	s0 =	sadd.s32 @!p0 $0x100000, s0  }
0xcd: {  	[sflag:s0] =	ssyncadd.tile.s32 @!p0 $0x1;
	_ =	shalt  }
.Lfunc_end2:
_tile_overlayer_lowered:
.L_overlay_start_2:
0xce: {  	(tag) =	ssettag $0x2  }
0xcf: {  	s0 =	rddreg [dreg:$0x0];
	s2 =	stileid.u32  }
0xd0: {  	s1 =	rddreg [dreg:$0x1];
	p0 =	sne.s32 s2, $0x0  }
0xd1: {  	s3 =	rddreg [dreg:$0x2];
	[bflag:$0x3] =	sbarrier.arrive $0xFFFF;
	s2 =	simm.s32 @!p0 $0x1C05  }
0xd2: {  	[timem:s3], [sflag:s2] =	dma.local @!p0 [hbm:s0], s1  }
0xd3: {  	s0 =	simm.s32 @!p0 $0x5  }
0xd4: {  	_ =	swait.ge @!p0 [sflag:s0], s1  }
0xd5: {  	s1 =	ssub.s32 @!p0 $0x0, s1;
	[sflag:s0] =	ssyncset.done @!p0 $0x0  }
0xd6: {  	[sflag:s0] =	ssyncadd.s32 @!p0 s1  }
0xd7: {  	[bflag:$0x3] =	sbarrier.arrive $0xFFFF  }
0xd8: {  	_ =	shalt  }

// kernel: kernel.8.cloned.1.call-start
scs
__scs_entry_jumppad:
0x0: {  	(pc) =	sbr.rel $0x88, $3  }
0x1: {  	(tag) =	ssettag $0x0;
	lr =	simm.s32 $0x1  }
0x2: {  	[smem:$0x3F9D] =	sst lr;
	_ =	strace $0xD0000000  }
0x3: {  	_ = 	snop  }
0x4: {  	_ = 	snop  }
0x5: {  	_ = 	snop  }
0x6: {  	_ = 	snop  }
0x7: {  	_ = 	snop  }
__scs_overlays_trampoline_lowered:
0x8: {  	[smem:$0x3FAC] =	sst s0  }
0x9: {  	[smem:$0x3FAD] =	sst s1  }
0xa: {  	[smem:$0x3FAE] =	sst s2  }
0xb: {  	[smem:$0x3FAF] =	sst s3  }
0xc: {  	[smem:$0x3FB0] =	sst s4  }
0xd: {  	[smem:$0x3FB1] =	sst s5  }
0xe: {  	[smem:$0x3FB2] =	sst s6  }
0xf: {  	[smem:$0x3FB3] =	sst s7  }
0x10: {  	[smem:$0x3FB4] =	sst s8  }
0x11: {  	[smem:$0x3FB5] =	sst s9;
	s0 =	simm.s32 @!p0 $0x0  }
0x12: {  	s1 =	sld [smem:$0x3F9B];
	s0 =	simm.s32 @p0 $0x1  }
0x13: {  	[smem:$0x3FB6] =	sst s0;
	s0 =	simm.s32 @!p1 $0x0  }
0x14: {  	s2 =	sld [smem:$0x3F9A];
	s0 =	simm.s32 @p1 $0x1  }
0x15: {  	[smem:$0x3FB7] =	sst s0;
	s0 =	simm.s32 @!p2 $0x0  }
0x16: {  	s3 =	sld [smem:$0x3FDB];
	s0 =	simm.s32 @p2 $0x1  }
0x17: {  	s4 =	simm.s32 $0x1BF5;
	[smem:$0x3FB9] =	sst s0  }
0x18: {  	s0 =	sld [smem:$0x3F9C];
	_ =	swait.ge [sflag:s4], $0x0  }
0x19: {  	s7 =	sld [smem:$0x3F9D]  }
0x1a: {  	s8 =	sadd.s32 $0xFFFFE003, lr  }
0x1b: {  	s9 =	sadd.s32 $0xFFFFFEF7, lr;
	s5 =	simm.s32 $0xFFFFFFFF;
	p2 =	slt.u32 s8, $0xFFFFF086  }
0x1c: {  	p1 =	slt.u32 s9, $0xF7A;
	s5 =	simm.s32 @!p2 $0x0  }
0x1d: {  	s5 =	simm.s32 @p1 $0x1;
	p0 =	seq.s32 s7, s2  }
0x1e: {  	s7 =	smul.u32 @!p0 $0xF7A, s2;
	p2 =	seq.s32 @!p0 s5, $0x0  }
0x1f: {  	s9 =	smul.u32 $0xF7A, s1;
	s8 =	simm.s32 @!p0 $0x1BF5;
	p2 =	por !p2, p0  }
0x20: {  	[sflag:s8] =	ssyncset.s32 @!p0 $0xFFFFF086;
	s6 =	sadd.s32 @!p0 s3, s7;
	s7 =	simm.s32 @!p0 $0x108  }
0x21: {  	s3 =	sadd.s32 s3, s9;
	s6 =	sadd.s32 @!p0 $0x88, s6;
	s7 =	simm.s32 @p2 $0x1082  }
0x22: {  	[simem:s7], [sflag:s8] =	dma.local @!p0 [hbm:s6], $0xF7A  }
0x23: {  	s9 =	sor.u32 $0xD0000000, s2;
	s6 =	simm.s32 $0x108;
	_ =	swait.ge @!p0 [sflag:s8], $0x0  }
0x24: {  	s3 =	sadd.s32 $0x88, s3;
	s6 =	simm.s32 @!p1 $0x1082;
	[sflag:s4] =	ssyncset.s32 $0xFFFFF086  }
0x25: {  	[simem:s6], [sflag:s4] =	dma.local [hbm:s3], $0xF7A  }
0x26: {  	[smem:$0x3F9D] =	sst s1;
	(tag) =	ssettag s2;
	_ =	strace s9  }
0x27: {  	s1 =	sld [smem:$0x3FAD]  }
0x28: {  	s2 =	sld [smem:$0x3FAE]  }
0x29: {  	s4 =	sld [smem:$0x3FB0]  }
0x2a: {  	p0 =	seq.s32 s5, $0x0;
	s5 =	sld [smem:$0x3FB1]  }
0x2b: {  	s6 =	sld [smem:$0x3FB2]  }
0x2c: {  	s7 =	sld [smem:$0x3FB3]  }
0x2d: {  	s3 =	simm.s32 $0x108;
	s8 =	sld [smem:$0x3FB4]  }
0x2e: {  	s3 =	simm.s32 @!p0 $0x1082;
	s9 =	sld [smem:$0x3FB5]  }
0x2f: {  	lr =	sadd.s32 s0, s3;
	s0 =	sld [smem:$0x3FAC]  }
0x30: {  	s3 =	sld [smem:$0x3FAF]  }
0x31: {  	[smem:$0x3FB8] =	sst s10  }
0x32: {  	s10 =	sld [smem:$0x3FB6];
	_ =	sdelay $0x3  }
0x33: {  	p0 =	seq.s32 s10, $0x1;
	s10 =	sld [smem:$0x3FB8];
	_ =	sdelay $0x3  }
0x34: {  	[smem:$0x3FB8] =	sst s10  }
0x35: {  	s10 =	sld [smem:$0x3FB7];
	_ =	sdelay $0x3  }
0x36: {  	p1 =	seq.s32 s10, $0x1;
	s10 =	sld [smem:$0x3FB8];
	_ =	sdelay $0x3  }
0x37: {  	[smem:$0x3FB8] =	sst s10  }
0x38: {  	s10 =	sld [smem:$0x3FB9]  }
0x39: {  	_ = 	snop;
	(pc) =	sbr.ind lr, $3  }
0x3a: {  	_ = 	snop  }
0x3b: {  	_ = 	snop  }
0x3c: {  	p2 =	seq.s32 s10, $0x1;
	s10 =	sld [smem:$0x3FB8]  }
0x3d: {  	_ =	shalt  }
0x3e: {  	_ =	shalt  }
0x3f: {  	_ =	shalt  }
0x40: {  	_ =	shalt  }
0x41: {  	_ =	shalt  }
0x42: {  	_ =	shalt  }
0x43: {  	_ =	shalt  }
0x44: {  	_ =	shalt  }
0x45: {  	_ =	shalt  }
0x46: {  	_ =	shalt  }
0x47: {  	_ =	shalt  }
0x48: {  	_ =	shalt  }
0x49: {  	_ =	shalt  }
0x4a: {  	_ =	shalt  }
0x4b: {  	_ =	shalt  }
0x4c: {  	_ =	shalt  }
0x4d: {  	_ =	shalt  }
0x4e: {  	_ =	shalt  }
0x4f: {  	_ =	shalt  }
0x50: {  	_ =	shalt  }
0x51: {  	_ =	shalt  }
0x52: {  	_ =	shalt  }
0x53: {  	_ =	shalt  }
0x54: {  	_ =	shalt  }
0x55: {  	_ =	shalt  }
0x56: {  	_ =	shalt  }
0x57: {  	_ =	shalt  }
0x58: {  	_ =	shalt  }
0x59: {  	_ =	shalt  }
0x5a: {  	_ =	shalt  }
0x5b: {  	_ =	shalt  }
0x5c: {  	_ =	shalt  }
0x5d: {  	_ =	shalt  }
0x5e: {  	_ =	shalt  }
0x5f: {  	_ =	shalt  }
0x60: {  	_ =	shalt  }
0x61: {  	_ =	shalt  }
0x62: {  	_ =	shalt  }
0x63: {  	_ =	shalt  }
0x64: {  	_ =	shalt  }
0x65: {  	_ =	shalt  }
0x66: {  	_ =	shalt  }
0x67: {  	_ =	shalt  }
0x68: {  	_ =	shalt  }
0x69: {  	_ =	shalt  }
0x6a: {  	_ =	shalt  }
0x6b: {  	_ =	shalt  }
0x6c: {  	_ =	shalt  }
0x6d: {  	_ =	shalt  }
0x6e: {  	_ =	shalt  }
0x6f: {  	_ =	shalt  }
0x70: {  	_ =	shalt  }
0x71: {  	_ =	shalt  }
0x72: {  	_ =	shalt  }
0x73: {  	_ =	shalt  }
0x74: {  	_ =	shalt  }
0x75: {  	_ =	shalt  }
0x76: {  	_ =	shalt  }
0x77: {  	_ =	shalt  }
0x78: {  	_ =	shalt  }
0x79: {  	_ =	shalt  }
0x7a: {  	_ =	shalt  }
0x7b: {  	_ =	shalt  }
0x7c: {  	_ =	shalt  }
0x7d: {  	_ =	shalt  }
0x7e: {  	_ =	shalt  }
0x7f: {  	_ =	shalt  }
0x80: {  	_ =	shalt  }
0x81: {  	_ =	shalt  }
0x82: {  	_ =	shalt  }
0x83: {  	_ =	shalt  }
0x84: {  	_ =	shalt  }
0x85: {  	_ =	shalt  }
0x86: {  	_ =	shalt  }
0x87: {  	_ =	shalt  }
.Lfunc_end0:
.L_simem_size_0:
called_computation_lowered:
.L_overlay_start_0:
0x88: {  	s2 =	sld [smem:$0x3FD9]  }
0x89: {  	s3 =	sld [smem:$0x3FFE];
	_ =	sdelay $0x1  }
0x8a: {  	s1 =	srdreg.scid  }
0x8b: {  	s0 =	sand.u32 $0x1, s1  }
0x8c: {  	s17 =	sshll.u32 s0, $0xA;
	s2 =	sadd.s32 s3, s2  }
0x8d: {  	s2 =	sadd.s32 s2, s17  }
0x8e: {  	[smem:$0x3FC4] =	sst s2  }
0x8f: {  	_ = 	snop  }
0x90: {  	s2 =	sld [smem:$0x3FD0];
	(tm) =	ssettm $0x1  }
0x91: {  	s18 =	sld [smem:$0x3FFB];
	_ =	sdelay $0x3  }
0x92: {  	_ =	strace s18  }
0x93: {  	s3 =	sld [smem:$0x3FFC];
	_ =	sdelay $0x3  }
0x94: {  	_ =	strace s3  }
0x95: {  	s3 =	sld [smem:$0x3FFD];
	_ =	sdelay $0x3  }
0x96: {  	_ =	strace s3  }
0x97: {  	_ =	strace $0x8FFFFFFF  }
0x98: {  	s19 =	sld [smem:$0x3FDB];
	_ =	sdelay $0x1  }
0x99: {  	s4 =	simm.s32 $_scs_section_size  }
0x9a: {  	s5 =	simm.s32 $_size__tile_overlayer_lowered;
	s6 =	simm.s32 $_tile_overlayer_lowered  }
0x9b: {  	s22 =	simm.s32 $0x1BFF;
	s21 =	sshll.u32 s6, $0x1;
	s3 =	sadd.s32 s4, s19  }
0x9c: {  	s7 =	simm.s32 $0x0;
	s20 =	sshll.u32 s5, $0x1;
	s5 =	sadd.s32 s21, s3  }
0x9d: {  	[timem:s7], [sflag:s22] =	dma.local [hbm:s5], s20  }
0x9e: {  	_ =	swait.ge [sflag:s22], s20  }
0x9f: {  	s4 =	ssub.s32 $0x0, s20;
	[sflag:s22] =	ssyncset.done $0x0  }
0xa0: {  	[sflag:s22] =	ssyncadd.s32 s4;
	_ =	sdelay $0x1  }
0xa1: {  	s23 =	simm.s32 $0x1B8B  }
0xa2: {  	_ =	swait.ge [sflag:s23], $0x1  }
0xa3: {  	[sflag:s23] =	ssyncset.done $0x0  }
0xa4: {  	s25 =	simm.s32 $0x1B8E;
	s24 =	sld [smem:$0x3FFE];
	[sflag:s23] =	ssyncadd.s32 $0xFFFFFFFF  }
0xa5: {  	s26 =	simm.s32 $execute0_lowered;
	[smem:$0x3FD2] =	sst s25  }
0xa6: {  	s5 =	sshll.u32 s26, $0x1;
	_ =	strace $0x80000046;
	[dreg:$0x1] =	wrdreg $0xFFFFFFFF  }
0xa7: {  	s28 =	simm.s32 $_size_execute0_lowered;
	s3 =	sadd.s32 s3, s5;
	[dreg:$0x0] =	wrdreg $0x0  }
0xa8: {  	s5 =	sshll.u32 s28, $0x1;
	[dreg:$0x2] =	wrdreg s3  }
0xa9: {  	[dreg:$0x3] =	wrdreg s5  }
0xaa: {  	[dreg:$0x4] =	wrdreg $0xC0  }
0xab: {  	_ =	task [dreg:s7], $0x5FFFF  }
0xac: {  	[dreg:$0x1] =	wrdreg $0xFFFFFFFF  }
0xad: {  	[dreg:$0x0] =	wrdreg $0x60  }
0xae: {  	[dreg:$0x2] =	wrdreg s24  }
0xaf: {  	[dreg:$0x3] =	wrdreg s2  }
0xb0: {  	[dreg:$0x4] =	wrdreg $0x0  }
0xb1: {  	[dreg:$0x5] =	wrdreg $0x9  }
0xb2: {  	_ =	task.clear_ibuf [dreg:s7], $0x6FFFF;
	_ =	strace $0x90000046  }
0xb3: {  	s29 =	simm.s32 $0x9;
	_ =	strace $0x80000048  }
0xb4: {  	_ =	swait.ge [sflag:s29], $0x1  }
0xb5: {  	[sflag:s29] =	ssyncadd.s32 $0xFFFFFFFF  }
0xb6: {  	_ =	strace $0x90000048  }
0xb7: {  	_ =	sfence  }
0xb8: {  	s30 =	sld [smem:$0x0];
	_ =	sdelay $0x2  }
0xb9: {  	s31 =	sshll.u32 s1, $0xD;
	s1 =	sshrl.u32 s1, $0x2  }
0xba: {  	s3 =	sand.u32 $0x4000, s31;
	s1 =	sadd.s32 s1, s30  }
0xbb: {  	s0 =	sor.u32 s3, s0;
	s1 =	sshll.u32 s1, $0x11  }
0xbc: {  	s0 =	sor.u32 s1, s0  }
0xbd: {  	s0 =	sadd.s32 $0x8F2B, s0  }
0xbe: {  	[sflag:s0] =	ssyncadd.remote.s32 $0x1  }
0xbf: {  	_ =	sfence.sel $0xFFFF  }
0xc0: {  	[dreg:$0x0] =	wrdreg $0xFFFFFFFF;
	(pc) =	sbr.abs _section_cstart, $3  }
0xc1: {  	[dreg:$0x1] =	wrdreg $0xFFFFFFFF  }
0xc2: {  	_ =	task.clear_ibuf [dreg:s7], $0x2FFFF;
	_ =	strace $0x9FFFFFFF  }
0xc3: {  	(tm) =	ssettm $0x7FFFFFFF  }
tec
execute0_lowered:
.L_overlay_start_1:
0x0: {  	(tag) =	ssettag $0x1  }
0x1: {  	s4 =	rddreg [dreg:$0x0]  }
0x2: {  	s6 =	rddreg [dreg:$0x1]  }
0x3: {  	s2 =	rddreg [dreg:$0x2]  }
0x4: {  	s0 =	srdreg.scid;
	s1 =	rddreg [dreg:$0x3]  }
0x5: {  	s3 =	simm.s32 $0x0;
	s12 =	simm.s32 $0x1;
	s13 =	simm.s32 $0x280  }
0x6: {  	s14 =	simm.s32 $0x7D0;
	s15 =	simm.s32 $0xA80;
	s19 =	simm.s32 $0x20  }
0x7: {  	s20 =	simm.s32 $0x10;
	s5 =	sand.u32 $0x1, s0;
	s0 =	stileid.u32  }
0x8: {  	s21 =	simm.s32 $0x0;
	s7 =	sshll.u32 s5, $0x4;
	s9 =	smul.u32 $0xA00, s0  }
0x9: {  	[smem:$0x7FF] =	sst s3;
	s17 =	smul.u32 $0xA0, s0;
	s8 =	sor.u32 s0, s7  }
0xa: {  	s5 =	ssub.s32 $0x2, s5;
	_ =	strace $0x80000047;
	s8 =	smul.u32 $0x2710, s8  }
0xb: {  	s18 =	sshll.u32 s0, $0x6;
	s10 =	sshrl.u32 s5, $0x1;
	s16 =	sadd.s32 s6, s7  }
0xc: {  	s30 =	ssub.s32 s5, s10;
	s31 =	sshrl.u32 s9, $0x2;
	s8 =	sshrl.u32 s8, $0x3  }
0xd: {  	s16 =	sadd.s32 s17, s16;
	s17 =	sor.u32 $0x1C01, s18;
	s11 =	sadd.s32 s8, s4  }
0xe: {  	s6 =	smax.u32 s30, $0x1;
	s4 =	sadd.s32 s31, s2;
	s5 =	sadd.s32 $0x1A00, s11  }
0xf: {  	s7 =	sadd.s32 $0x1AFA, s11;
	s8 =	sadd.s32 $0x1BF4, s11;
	s9 =	sadd.s32 $0x1CEE, s11  }
0x10: {  	v0 =	vimm.f32 $1.000000000e+00;
	v1 =	vimm.f32 $0.0e+00;
	s10 =	sadd.s32 $0x1DE8, s11;
	s11 =	simm.s32 $0x1280;
	s18 =	sshrl.u32 s4, $0x3  }
.LBB2_1:
0x11: {  	s22 =	simm.s32 $0x40;
	s23 =	simm.s32 $0x0  }
.LBB2_2:
0x12: {  	p0 =	sne.s32 s22, $0x1F00;
	[tilespmem:s23+$0xA80] =	vst v0;
	s23 =	smov.u32 s22;
	s22 =	sadd.s32 $0x40, s22  }
.Ltmp0:
0x13: {  	(pc) =	sbr.rel @p0 .LBB2_2-.Ltmp0, $2  }
0x14: {  	_ =	sdelay $0x2  }
0x15: {  	s23 =	sshra.s32 s23, $0x2  }
0x16: {  	[tilespmem:s23+$0xA80] =	vst v0  }
0x17: {  	[tilespmem:$0x1280] =	vst v1  }
0x18: {  	[tilespmem:$0x1290] =	vst v1  }
0x19: {  	[tilespmem:$0x12A0] =	vst v1  }
0x1a: {  	[tilespmem:$0x12B0] =	vst v1  }
0x1b: {  	[tilespmem:$0x12C0] =	vst v1  }
0x1c: {  	[tilespmem:$0x12D0] =	vst v1  }
0x1d: {  	[tilespmem:$0x12E0] =	vst v1  }
0x1e: {  	[tilespmem:$0x12F0] =	vst v1  }
0x1f: {  	[tilespmem:$0x1300] =	vst v1  }
0x20: {  	[tilespmem:$0x1310] =	vst v1  }
0x21: {  	[tilespmem:$0x1320] =	vst v1  }
0x22: {  	[tilespmem:$0x1330] =	vst v1  }
0x23: {  	[tilespmem:$0x1340] =	vst v1  }
0x24: {  	[tilespmem:$0x1350] =	vst v1  }
0x25: {  	[tilespmem:$0x1360] =	vst v1  }
0x26: {  	[tilespmem:$0x1370] =	vst v1  }
0x27: {  	[tilespmem:$0x1380] =	vst v1  }
0x28: {  	[tilespmem:$0x1390] =	vst v1  }
0x29: {  	[tilespmem:$0x13A0] =	vst v1  }
0x2a: {  	[tilespmem:$0x13B0] =	vst v1  }
0x2b: {  	[tilespmem:$0x13C0] =	vst v1  }
0x2c: {  	[tilespmem:$0x13D0] =	vst v1  }
0x2d: {  	[tilespmem:$0x13E0] =	vst v1  }
0x2e: {  	[tilespmem:$0x13F0] =	vst v1  }
0x2f: {  	[tilespmem:$0x1400] =	vst v1  }
0x30: {  	[tilespmem:$0x1410] =	vst v1  }
0x31: {  	[tilespmem:$0x1420] =	vst v1  }
0x32: {  	[tilespmem:$0x1430] =	vst v1  }
0x33: {  	[tilespmem:$0x1440] =	vst v1  }
0x34: {  	[tilespmem:$0x1450] =	vst v1  }
0x35: {  	[tilespmem:$0x1460] =	vst v1  }
0x36: {  	[tilespmem:$0x1470] =	vst v1  }
0x37: {  	[tilespmem:$0x1480] =	vst v1  }
0x38: {  	[tilespmem:$0x1490] =	vst v1  }
0x39: {  	[tilespmem:$0x14A0] =	vst v1  }
0x3a: {  	[tilespmem:$0x14B0] =	vst v1  }
0x3b: {  	[tilespmem:$0x14C0] =	vst v1  }
0x3c: {  	[tilespmem:$0x14D0] =	vst v1  }
0x3d: {  	[tilespmem:$0x14E0] =	vst v1  }
0x3e: {  	[tilespmem:$0x14F0] =	vst v1  }
0x3f: {  	[spmem:s4] =	stream.linear.scatter [tilespmem:s11], [sflag:$0x1], $0x280, $0x38;
	[tilespmem:$0x1500] =	vst v63  }
0x40: {  	_ =	swait.ge [sflag:s12], $0x280  }
0x41: {  	[sflag:s12] =	ssyncset.done $0x0  }
0x42: {  	[sflag:s12] =	ssyncadd.s32 $0xFFFFFD80  }
0x43: {  	[bflag:$0x0] =	sbarrier.arrive $0xFFFF  }
0x44: {  	[tilespmem:s13], [sflag:$0x1] =	stream.linear.gather [hbm4b:s5+s3], $0x7D0, $0x38;
	[tilespmem:$0x1500] =	vst v63  }
0x45: {  	_ =	swait.ge [sflag:s12], $0x7D0  }
0x46: {  	[sflag:s12] =	ssyncset.done $0x0  }
0x47: {  	[sflag:s12] =	ssyncadd.s32 $0xFFFFF830  }
0x48: {  	[spmem:s2] =	stream.indirect.scatter.add.f32 [tilespmem:s15], [sflag:$0x1], $0x1, s13, s14, $0xb8;
	[tilespmem:$0x1500] =	vst v63  }
0x49: {  	_ =	swait.ge [sflag:s12], $0x7D0  }
0x4a: {  	[sflag:s12] =	ssyncset.done $0x0  }
0x4b: {  	[sflag:s12] =	ssyncadd.s32 $0xFFFFF830  }
0x4c: {  	[tilespmem:s13], [sflag:$0x1] =	stream.linear.gather [hbm4b:s7+s3], $0x7D0, $0x38;
	[tilespmem:$0x1500] =	vst v63  }
0x4d: {  	_ =	swait.ge [sflag:s12], $0x7D0  }
0x4e: {  	[sflag:s12] =	ssyncset.done $0x0  }
0x4f: {  	[sflag:s12] =	ssyncadd.s32 $0xFFFFF830  }
0x50: {  	[spmem:s2] =	stream.indirect.scatter.add.f32 [tilespmem:s15], [sflag:$0x1], $0x1, s13, s14, $0xb8;
	[tilespmem:$0x1500] =	vst v63  }
0x51: {  	_ =	swait.ge [sflag:s12], $0x7D0  }
0x52: {  	[sflag:s12] =	ssyncset.done $0x0  }
0x53: {  	[sflag:s12] =	ssyncadd.s32 $0xFFFFF830  }
0x54: {  	[tilespmem:s13], [sflag:$0x1] =	stream.linear.gather [hbm4b:s8+s3], $0x7D0, $0x38;
	[tilespmem:$0x1500] =	vst v63  }
0x55: {  	_ =	swait.ge [sflag:s12], $0x7D0  }
0x56: {  	[sflag:s12] =	ssyncset.done $0x0  }
0x57: {  	[sflag:s12] =	ssyncadd.s32 $0xFFFFF830  }
0x58: {  	[spmem:s2] =	stream.indirect.scatter.add.f32 [tilespmem:s15], [sflag:$0x1], $0x1, s13, s14, $0xb8;
	[tilespmem:$0x1500] =	vst v63  }
0x59: {  	_ =	swait.ge [sflag:s12], $0x7D0  }
0x5a: {  	[sflag:s12] =	ssyncset.done $0x0  }
0x5b: {  	[sflag:s12] =	ssyncadd.s32 $0xFFFFF830  }
0x5c: {  	[tilespmem:s13], [sflag:$0x1] =	stream.linear.gather [hbm4b:s9+s3], $0x7D0, $0x38;
	[tilespmem:$0x1500] =	vst v63  }
0x5d: {  	_ =	swait.ge [sflag:s12], $0x7D0  }
0x5e: {  	[sflag:s12] =	ssyncset.done $0x0  }
0x5f: {  	[sflag:s12] =	ssyncadd.s32 $0xFFFFF830  }
0x60: {  	[spmem:s2] =	stream.indirect.scatter.add.f32 [tilespmem:s15], [sflag:$0x1], $0x1, s13, s14, $0xb8;
	[tilespmem:$0x1500] =	vst v63  }
0x61: {  	_ =	swait.ge [sflag:s12], $0x7D0  }
0x62: {  	[sflag:s12] =	ssyncset.done $0x0  }
0x63: {  	[sflag:s12] =	ssyncadd.s32 $0xFFFFF830  }
0x64: {  	[tilespmem:s13], [sflag:$0x1] =	stream.linear.gather [hbm4b:s10+s3], $0x7D0, $0x38;
	[tilespmem:$0x1500] =	vst v63  }
0x65: {  	_ =	swait.ge [sflag:s12], $0x7D0  }
0x66: {  	[sflag:s12] =	ssyncset.done $0x0  }
0x67: {  	[sflag:s12] =	ssyncadd.s32 $0xFFFFF830  }
0x68: {  	[spmem:s2] =	stream.indirect.scatter.add.f32 [tilespmem:s15], [sflag:$0x1], $0x1, s13, s14, $0xb8;
	[tilespmem:$0x1500] =	vst v63  }
0x69: {  	_ =	swait.ge [sflag:s12], $0x7D0  }
0x6a: {  	s21 =	sadd.s32 $0x1, s21;
	[sflag:s12] =	ssyncset.done $0x0  }
0x6b: {  	p0 =	sne.s32 s21, s6;
	[sflag:s12] =	ssyncadd.s32 $0xFFFFF830  }
.Ltmp1:
0x6c: {  	[bflag:$0x0] =	sbarrier.arrive $0xFFFF;
	(pc) =	sbr.rel @p0 .LBB2_1-.Ltmp1, $4  }
0x6d: {  	[hbm:s16@s19], [sflag:s17] =	dma.strided [spmem:s18@s20], $0x50, s12, $0x10   }
0x6e: {  	_ =	swait.ge [sflag:s12], $0x50  }
0x6f: {  	[sflag:s12] =	ssyncset.done $0x0  }
0x70: {  	[sflag:s12] =	ssyncadd.s32 $0xFFFFFFB0  }
0x71: {  	_ =	sfence.sel $0x180000  }
0x72: {  	[bflag:$0x0] =	sbarrier.arrive $0xFFFF  }
0x73: {  	p0 =	sne.s32 s0, $0x0;
	_ =	strace $0x90000047  }
0x74: {  	s0 =	sadd.s32 @!p0 $0x100000, s1;
	[bflag:$0x2] =	sbarrier.arrive $0xFFFF  }
0x75: {  	[sflag:s0] =	ssyncadd.tile.s32 @!p0 $0x1;
	_ =	shalt  }
.Lfunc_end2:
_tile_overlayer_lowered:
.L_overlay_start_2:
0x76: {  	(tag) =	ssettag $0x2  }
0x77: {  	s0 =	rddreg [dreg:$0x0];
	s2 =	stileid.u32  }
0x78: {  	s1 =	rddreg [dreg:$0x1];
	p0 =	sne.s32 s2, $0x0  }
0x79: {  	s3 =	rddreg [dreg:$0x2];
	[bflag:$0x3] =	sbarrier.arrive $0xFFFF;
	s2 =	simm.s32 @!p0 $0x1C01  }
0x7a: {  	[timem:s3], [sflag:s2] =	dma.local @!p0 [hbm:s0], s1  }
0x7b: {  	s0 =	simm.s32 @!p0 $0x1  }
0x7c: {  	_ =	swait.ge @!p0 [sflag:s0], s1  }
0x7d: {  	s1 =	ssub.s32 @!p0 $0x0, s1;
	[sflag:s0] =	ssyncset.done @!p0 $0x0  }
0x7e: {  	[sflag:s0] =	ssyncadd.s32 @!p0 s1  }
0x7f: {  	[bflag:$0x3] =	sbarrier.arrive $0xFFFF  }
0x80: {  	_ =	shalt  }

</sc_bundles>
